<compile_context>
chip_gen: v7x
topology: tpu7x:2x2x1
jax: 0.10.2.dev20260603
libtpu: 0.0.44.dev20260713+nightly
codegen_flags: <defaults>
</compile_context>

<pallas_src>
import functools

import jax
import jax.numpy as jnp
from jax import lax
from jax.experimental import pallas as pl
from jax.experimental.pallas import tpu as pltpu
from jax.experimental.pallas import tpu_sc as plsc

N_NODES = 10000
N_EDGES = 320000
DIM = 128

NC = 2
NS = 16
NW = NC * NS
EPW = N_EDGES // NW
CHUNK = 40
N_CHUNKS = EPW // CHUNK
N_NODES_PAD = 10240
ROWS_PER_TILE = N_NODES_PAD // NS


def _dense_body(x_ref, ef_ref, w1t_ref, b1_ref, w2t_ref, b2_ref, wet_ref,
                be_ref, rbf_ref, e_ref):
    h = jnp.dot(x_ref[...], w1t_ref[...], preferred_element_type=jnp.float32)
    h = h + b1_ref[...]
    bx = 0.5 * h
    sp = 2.0 * jnp.log1p(jnp.exp(jnp.minimum(bx, 14.0)))
    h = jnp.where(bx > 14.0, h, sp)
    rbf_ref[...] = (
        jnp.dot(h, w2t_ref[...], preferred_element_type=jnp.float32)
        + b2_ref[...]
    )
    e_ref[...] = (
        jnp.dot(ef_ref[...], wet_ref[...], preferred_element_type=jnp.float32)
        + be_ref[...]
    )


def _dense(rbf_out, e_feat, W1t, b1, W2t, b2, Wet, be, block):
    grid = (N_EDGES // block,)
    edge_spec = pl.BlockSpec((block, DIM), lambda i: (i, 0))
    full_spec = pl.BlockSpec((DIM, DIM), lambda i: (0, 0))
    bias_spec = pl.BlockSpec((1, DIM), lambda i: (0, 0))
    return pl.pallas_call(
        _dense_body,
        grid=grid,
        in_specs=[edge_spec, edge_spec, full_spec, bias_spec, full_spec,
                  bias_spec, full_spec, bias_spec],
        out_specs=[edge_spec, edge_spec],
        out_shape=[
            jax.ShapeDtypeStruct((N_EDGES, DIM), jnp.float32),
            jax.ShapeDtypeStruct((N_EDGES, DIM), jnp.float32),
        ],
    )(rbf_out, e_feat, W1t, b1, W2t, b2, Wet, be)


def _sc_body(nf_hbm, rbf_hbm, e_hbm, idx_hbm, zero_hbm, out_hbm,
             sd_a, sd_b,
             nf_a, rbf_a, e_a, nf_b, rbf_b, e_b,
             accum,
             sem_nf_a, sem_rbf_a, sem_e_a, sem_nf_b, sem_rbf_b, sem_e_b):
    c = lax.axis_index("c")
    s = lax.axis_index("s")
    wid = s * NC + c
    slots = ((sd_a, nf_a, rbf_a, e_a, sem_nf_a, sem_rbf_a, sem_e_a),
             (sd_b, nf_b, rbf_b, e_b, sem_nf_b, sem_rbf_b, sem_e_b))
    last = N_CHUNKS - 1

    r0 = s * ROWS_PER_TILE
    pltpu.sync_copy(zero_hbm, accum.at[pl.ds(r0, ROWS_PER_TILE)])
    plsc.subcore_barrier()

    def _data_copies(slot, j):
        sd_v, nf_v, rbf_v, e_v, snf, srbf, se = slot
        base = wid * EPW + j * CHUNK
        return (
            pltpu.make_async_copy(
                nf_hbm.at[sd_v.at[pl.ds(0, CHUNK)]], nf_v, snf),
            pltpu.make_async_copy(rbf_hbm.at[pl.ds(base, CHUNK)], rbf_v, srbf),
            pltpu.make_async_copy(e_hbm.at[pl.ds(base, CHUNK)], e_v, se),
        )

    def load_idx_and_issue(slot, j):
        sd_v = slot[0]
        off = (wid * N_CHUNKS + j) * 2 * CHUNK
        pltpu.sync_copy(idx_hbm.at[pl.ds(off, 2 * CHUNK)], sd_v)
        for cp in _data_copies(slot, j):
            cp.start()

    def wait_data(slot, j):
        for cp in _data_copies(slot, j):
            cp.wait()

    def consume(slot, j):
        sd_v, nf_v, rbf_v, e_v = slot[0], slot[1], slot[2], slot[3]
        wait_data(slot, j)

        def row_body(r, carry2):
            for k in range(DIM // 16):
                sl = pl.ds(k * 16, 16)
                nf_v[r, sl] = nf_v[r, sl] * rbf_v[r, sl] + e_v[r, sl]
            return carry2

        lax.fori_loop(0, CHUNK, row_body, 0, unroll=2)
        pltpu.sync_copy(nf_v, accum.at[sd_v.at[pl.ds(CHUNK, CHUNK)]],
                        add=True)

    load_idx_and_issue(slots[0], 0)

    def pair_body(i, carry):
        c0 = 2 * i
        load_idx_and_issue(slots[1], c0 + 1)
        consume(slots[0], c0)
        load_idx_and_issue(slots[0], jnp.minimum(c0 + 2, last))
        consume(slots[1], c0 + 1)
        return carry

    lax.fori_loop(0, N_CHUNKS // 2, pair_body, 0)
    wait_data(slots[0], last)

    plsc.subcore_barrier()
    pltpu.sync_copy(accum.at[pl.ds(r0, ROWS_PER_TILE)],
                    out_hbm.at[c, pl.ds(r0, ROWS_PER_TILE)])


def _sc_message_reduce(n_feat, rbf, e, idx2, zeros_tile):
    mesh = plsc.VectorSubcoreMesh(core_axis_name="c", subcore_axis_name="s",
                                  num_cores=NC, num_subcores=NS)
    fn = functools.partial(
        pl.kernel,
        out_type=jax.ShapeDtypeStruct((NC, N_NODES_PAD, DIM), jnp.float32),
        mesh=mesh,
        scratch_types=[
            pltpu.VMEM((2 * CHUNK,), jnp.int32),
            pltpu.VMEM((2 * CHUNK,), jnp.int32),
            pltpu.VMEM((CHUNK, DIM), jnp.float32),
            pltpu.VMEM((CHUNK, DIM), jnp.float32),
            pltpu.VMEM((CHUNK, DIM), jnp.float32),
            pltpu.VMEM((CHUNK, DIM), jnp.float32),
            pltpu.VMEM((CHUNK, DIM), jnp.float32),
            pltpu.VMEM((CHUNK, DIM), jnp.float32),
            pltpu.VMEM_SHARED((N_NODES_PAD, DIM), jnp.float32),
            pltpu.SemaphoreType.DMA,
            pltpu.SemaphoreType.DMA,
            pltpu.SemaphoreType.DMA,
            pltpu.SemaphoreType.DMA,
            pltpu.SemaphoreType.DMA,
            pltpu.SemaphoreType.DMA,
        ],
    )(_sc_body)
    return fn(n_feat, rbf, e, idx2, zeros_tile)


def kernel(n_feat, e_feat, rbf_out, edge_index, W1, b1, W2, b2, We, be):
    edge_index = edge_index.astype(jnp.int32)
    src = edge_index[0]
    dst = edge_index[1]

    rbf, e = _dense(
        rbf_out, e_feat,
        W1.T, b1.reshape(1, DIM),
        W2.T, b2.reshape(1, DIM),
        We.T, be.reshape(1, DIM),
        block=2000,
    )

    idx2 = jnp.stack(
        [src.reshape(NW, N_CHUNKS, CHUNK), dst.reshape(NW, N_CHUNKS, CHUNK)],
        axis=2).reshape(-1)
    zeros_tile = jnp.zeros((ROWS_PER_TILE, DIM), jnp.float32)
    partials = _sc_message_reduce(n_feat, rbf, e, idx2, zeros_tile)
    n_out = partials[0, :N_NODES] + partials[1, :N_NODES]
    return (n_out, e)

# --- scband reference (transcript-rebuilt; emitter-appended) ---
"""Pipeline reference for scband-veconv-62603443307164 (READ-ONLY COPY).

The authoritative reference and input builder live on the scoring server;
editing this copy changes nothing except your own understanding.
"""

import jax, jax.numpy as jnp
import numpy as np

N_NODES = 10000
N_EDGES = 320000
RBF_DIM = 128
DIM = 128


def setup_inputs(seed: int = 0) -> dict:
    key = jax.random.key(seed)
    ks = jax.random.split(key, 12)
    n_feat = jax.random.normal(ks[0], (N_NODES, DIM), dtype=jnp.float32)
    e_feat = jax.random.normal(ks[1], (N_EDGES, DIM), dtype=jnp.float32)
    rbf_out = jax.random.normal(ks[2], (N_EDGES, RBF_DIM), dtype=jnp.float32)
    edge_index = jax.random.randint(ks[3], (2, N_EDGES), 0, N_NODES, dtype=jnp.int64)
    # parameters: update_rbf = Linear(rbf_dim, dim) -> Softplus(beta=0.5, threshold=14) -> Linear(dim, dim)
    W1 = jax.random.normal(ks[4], (DIM, RBF_DIM), dtype=jnp.float32) * (1.0 / np.sqrt(RBF_DIM))
    b1 = jax.random.normal(ks[5], (DIM,), dtype=jnp.float32) * 0.01
    W2 = jax.random.normal(ks[6], (DIM, DIM), dtype=jnp.float32) * (1.0 / np.sqrt(DIM))
    b2 = jax.random.normal(ks[7], (DIM,), dtype=jnp.float32) * 0.01
    # update_efeat = Linear(dim, dim)
    We = jax.random.normal(ks[8], (DIM, DIM), dtype=jnp.float32) * (1.0 / np.sqrt(DIM))
    be = jax.random.normal(ks[9], (DIM,), dtype=jnp.float32) * 0.01
    return {"n_feat": n_feat, "e_feat": e_feat, "rbf_out": rbf_out,
            "edge_index": edge_index,
            "W1": W1, "b1": b1, "W2": W2, "b2": b2, "We": We, "be": be}


def _softplus_beta_half(x):
    # torch.nn.Softplus(beta=0.5, threshold=14): (1/beta)*log(1+exp(beta*x)), linear when beta*x > threshold
    bx = 0.5 * x
    return jnp.where(bx > 14.0, x, 2.0 * jnp.log1p(jnp.exp(jnp.minimum(bx, 14.0))))


def reference(n_feat, e_feat, rbf_out, edge_index, W1, b1, W2, b2, We, be):
    # update_rbf MLP
    h = rbf_out @ W1.T + b1
    h = _softplus_beta_half(h)
    rbf = h @ W2.T + b2
    # update edge features
    e = e_feat @ We.T + be
    src = edge_index[0]
    dst = edge_index[1]
    # message: m_0 = u_mul_e(n_feat, rbf_out); m_1 = copy_e(e_feat); reduce: sum both, add
    m = n_feat[src] * rbf + e
    n_out = jax.ops.segment_sum(m, dst, num_segments=N_NODES)
    return (n_out, e)

if __name__ == "__main__":
    import jax
    _d = setup_inputs()
    print(jax.jit(kernel)(*tuple(_d.values())))

</pallas_src>

<mosaic_0001>
#map = affine_map<(d0, d1) -> (0, 0)>
#map1 = affine_map<(d0, d1) -> (0)>
#map2 = affine_map<(d0, d1) -> (0, 0, 0)>
module attributes {stable_mosaic.version = 14 : i64} {
  func.func @_sc_body(%arg0: i32, %arg1: i32, %arg2: memref<10000x128xf32, #tpu.memory_space<hbm>>, %arg3: memref<320000x128xf32, #tpu.memory_space<hbm>>, %arg4: memref<320000x128xf32, #tpu.memory_space<hbm>>, %arg5: memref<640000xi32, #tpu.memory_space<hbm>>, %arg6: memref<640x128xf32, #tpu.memory_space<hbm>>, %arg7: memref<2x10240x128xf32, #tpu.memory_space<hbm>>, %arg8: memref<80xi32, #tpu.memory_space<vmem>>, %arg9: memref<80xi32, #tpu.memory_space<vmem>>, %arg10: memref<40x128xf32, #tpu.memory_space<vmem>>, %arg11: memref<40x128xf32, #tpu.memory_space<vmem>>, %arg12: memref<40x128xf32, #tpu.memory_space<vmem>>, %arg13: memref<40x128xf32, #tpu.memory_space<vmem>>, %arg14: memref<40x128xf32, #tpu.memory_space<vmem>>, %arg15: memref<40x128xf32, #tpu.memory_space<vmem>>, %arg16: memref<10240x128xf32, #tpu.memory_space<vmem_shared>>, %arg17: memref<!tpu.dma_semaphore, #tpu.memory_space<semaphore_mem>>, %arg18: memref<!tpu.dma_semaphore, #tpu.memory_space<semaphore_mem>>, %arg19: memref<!tpu.dma_semaphore, #tpu.memory_space<semaphore_mem>>, %arg20: memref<!tpu.dma_semaphore, #tpu.memory_space<semaphore_mem>>, %arg21: memref<!tpu.dma_semaphore, #tpu.memory_space<semaphore_mem>>, %arg22: memref<!tpu.dma_semaphore, #tpu.memory_space<semaphore_mem>>) attributes {dimension_semantics = [#tpu.dimension_semantics<core_parallel>, #tpu.dimension_semantics<subcore_parallel>], iteration_bounds = array<i64: 2, 16>, scalar_prefetch = 0 : i64, scratch_operands = 15 : i64, tpu.core_type = #tpu.core_type<sc_vector_subcore>, window_params = [{transform_indices = #map}, {transform_indices = #map}, {transform_indices = #map}, {transform_indices = #map1}, {transform_indices = #map}, {transform_indices = #map2}]} {
    %mul3A = arith.constant 2 : i32
    %mul3A_0 = arith.muli %arg1, %mul3A : i32
    %add3A = arith.addi %mul3A_0, %arg0 : i32
    %mul3A_1 = arith.constant 640 : i32
    %mul3A_2 = arith.muli %arg1, %mul3A_1 : i32
    "tpu.region"() ({
      %run_scoped3A = tpu.sem_alloc : memref<!tpu.dma_semaphore, #tpu.memory_space<semaphore_mem>>
      %dma_start3A_49 = arith.constant 0 : i32
      %dma_start3A_50 = tpu.memref_slice %arg16[%mul3A_2, %dma_start3A_49] : memref<10240x128xf32, #tpu.memory_space<vmem_shared>> -> memref<640x128xf32, #tpu.memory_space<vmem_shared>>
      tpu.enqueue_dma source(%arg6 : memref<640x128xf32, #tpu.memory_space<hbm>>) target(%dma_start3A_50 : memref<640x128xf32, #tpu.memory_space<vmem_shared>>) target_semaphore(%run_scoped3A : memref<!tpu.dma_semaphore, #tpu.memory_space<semaphore_mem>>)
      %dma_wait3A_51 = arith.constant 0 : i32
      %dma_wait3A_52 = tpu.memref_slice %arg16[%mul3A_2, %dma_wait3A_51] : memref<10240x128xf32, #tpu.memory_space<vmem_shared>> -> memref<640x128xf32, #tpu.memory_space<vmem_shared>>
      tpu.wait_dma2 semaphore(%run_scoped3A : memref<!tpu.dma_semaphore, #tpu.memory_space<semaphore_mem>>) src(%arg6 : memref<640x128xf32, #tpu.memory_space<hbm>>) dst(%dma_wait3A_52 : memref<640x128xf32, #tpu.memory_space<vmem_shared>>)
      tpu.yield
    }) : () -> ()
    %barrier3A = arith.constant 0 : index
    tpu.barrier barrier_id(%barrier3A)
    %mul3A_3 = arith.constant 250 : i32
    %mul3A_4 = arith.muli %add3A, %mul3A_3 : i32
    %add3A_5 = arith.constant 0 : i32
    %add3A_6 = arith.addi %mul3A_4, %add3A_5 : i32
    %mul3A_7 = arith.constant 2 : i32
    %mul3A_8 = arith.muli %add3A_6, %mul3A_7 : i32
    %mul3A_9 = arith.constant 40 : i32
    %mul3A_10 = arith.muli %mul3A_8, %mul3A_9 : i32
    "tpu.region"() ({
      %run_scoped3A = tpu.sem_alloc : memref<!tpu.dma_semaphore, #tpu.memory_space<semaphore_mem>>
      %dma_start3A_49 = tpu.memref_slice %arg5[%mul3A_10] : memref<640000xi32, #tpu.memory_space<hbm>> -> memref<80xi32, #tpu.memory_space<hbm>>
      %dma_start3A_50 = tpu.memref_slice %arg5[%mul3A_10] : memref<640000xi32, #tpu.memory_space<hbm>> -> memref<80xi32, #tpu.memory_space<hbm>>
      tpu.enqueue_dma source(%dma_start3A_50 : memref<80xi32, #tpu.memory_space<hbm>>) target(%arg8 : memref<80xi32, #tpu.memory_space<vmem>>) target_semaphore(%run_scoped3A : memref<!tpu.dma_semaphore, #tpu.memory_space<semaphore_mem>>)
      %dma_wait3A_51 = tpu.memref_slice %arg5[%mul3A_10] : memref<640000xi32, #tpu.memory_space<hbm>> -> memref<80xi32, #tpu.memory_space<hbm>>
      %dma_wait3A_52 = tpu.memref_slice %arg5[%mul3A_10] : memref<640000xi32, #tpu.memory_space<hbm>> -> memref<80xi32, #tpu.memory_space<hbm>>
      tpu.wait_dma2 semaphore(%run_scoped3A : memref<!tpu.dma_semaphore, #tpu.memory_space<semaphore_mem>>) src(%dma_wait3A_52 : memref<80xi32, #tpu.memory_space<hbm>>) dst(%arg8 : memref<80xi32, #tpu.memory_space<vmem>>)
      tpu.yield
    }) : () -> ()
    %mul3A_11 = arith.constant 10000 : i32
    %mul3A_12 = arith.muli %add3A, %mul3A_11 : i32
    %add3A_13 = arith.constant 0 : i32
    %add3A_14 = arith.addi %mul3A_12, %add3A_13 : i32
    %dma_start3A = arith.constant 0 : i32
    %dma_start3A_15 = tpu.memref_slice %arg8[%dma_start3A] : memref<80xi32, #tpu.memory_space<vmem>> -> memref<40xi32, #tpu.memory_space<vmem>>
    %dma_start3A_16 = arith.constant 0 : i32
    %dma_start3A_17 = arith.constant 0 : i32
    %dma_start3A_18 = tpu.memref_slice %arg2[%dma_start3A_16, %dma_start3A_17] : memref<10000x128xf32, #tpu.memory_space<hbm>> -> memref<10000x128xf32, #tpu.memory_space<hbm>>
    tpu.enqueue_indirect_dma source(%dma_start3A_18 : memref<10000x128xf32, #tpu.memory_space<hbm>>) target(%arg10 : memref<40x128xf32, #tpu.memory_space<vmem>>) offsets(%dma_start3A_15 : memref<40xi32, #tpu.memory_space<vmem>>) semaphore(%arg17 : memref<!tpu.dma_semaphore, #tpu.memory_space<semaphore_mem>>)
    %dma_start3A_19 = arith.constant 0 : i32
    %dma_start3A_20 = tpu.memref_slice %arg3[%add3A_14, %dma_start3A_19] : memref<320000x128xf32, #tpu.memory_space<hbm>> -> memref<40x128xf32, #tpu.memory_space<hbm>>
    %dma_start3A_21 = arith.constant 0 : i32
    %dma_start3A_22 = tpu.memref_slice %arg3[%add3A_14, %dma_start3A_21] : memref<320000x128xf32, #tpu.memory_space<hbm>> -> memref<40x128xf32, #tpu.memory_space<hbm>>
    tpu.enqueue_dma source(%dma_start3A_22 : memref<40x128xf32, #tpu.memory_space<hbm>>) target(%arg11 : memref<40x128xf32, #tpu.memory_space<vmem>>) target_semaphore(%arg18 : memref<!tpu.dma_semaphore, #tpu.memory_space<semaphore_mem>>)
    %dma_start3A_23 = arith.constant 0 : i32
    %dma_start3A_24 = tpu.memref_slice %arg4[%add3A_14, %dma_start3A_23] : memref<320000x128xf32, #tpu.memory_space<hbm>> -> memref<40x128xf32, #tpu.memory_space<hbm>>
    %dma_start3A_25 = arith.constant 0 : i32
    %dma_start3A_26 = tpu.memref_slice %arg4[%add3A_14, %dma_start3A_25] : memref<320000x128xf32, #tpu.memory_space<hbm>> -> memref<40x128xf32, #tpu.memory_space<hbm>>
    tpu.enqueue_dma source(%dma_start3A_26 : memref<40x128xf32, #tpu.memory_space<hbm>>) target(%arg12 : memref<40x128xf32, #tpu.memory_space<vmem>>) target_semaphore(%arg19 : memref<!tpu.dma_semaphore, #tpu.memory_space<semaphore_mem>>)
    %scan3A = arith.constant 0 : i32
    %scan3A_27 = arith.constant 0 : i32
    %scan3A_28 = arith.constant 125 : i32
    %scan3A_29 = arith.addi %scan3A_27, %scan3A_28 : i32
    %scan3A_30 = arith.constant 1 : i32
    scf.for %scan3A_49 = %scan3A_27 to %scan3A_29 step %scan3A_30  : i32 {
      %mul3A_50 = arith.constant 2 : i32
      %mul3A_51 = arith.muli %mul3A_50, %scan3A_49 : i32
      %add3A_52 = arith.constant 1 : i32
      %add3A_53 = arith.addi %mul3A_51, %add3A_52 : i32
      %mul3A_54 = arith.constant 250 : i32
      %mul3A_55 = arith.muli %add3A, %mul3A_54 : i32
      %add3A_56 = arith.addi %mul3A_55, %add3A_53 : i32
      %mul3A_57 = arith.constant 2 : i32
      %mul3A_58 = arith.muli %add3A_56, %mul3A_57 : i32
      %mul3A_59 = arith.constant 40 : i32
      %mul3A_60 = arith.muli %mul3A_58, %mul3A_59 : i32
      "tpu.region"() ({
        %run_scoped3A = tpu.sem_alloc : memref<!tpu.dma_semaphore, #tpu.memory_space<semaphore_mem>>
        %dma_start3A_157 = tpu.memref_slice %arg5[%mul3A_60] : memref<640000xi32, #tpu.memory_space<hbm>> -> memref<80xi32, #tpu.memory_space<hbm>>
        %dma_start3A_158 = tpu.memref_slice %arg5[%mul3A_60] : memref<640000xi32, #tpu.memory_space<hbm>> -> memref<80xi32, #tpu.memory_space<hbm>>
        tpu.enqueue_dma source(%dma_start3A_158 : memref<80xi32, #tpu.memory_space<hbm>>) target(%arg9 : memref<80xi32, #tpu.memory_space<vmem>>) target_semaphore(%run_scoped3A : memref<!tpu.dma_semaphore, #tpu.memory_space<semaphore_mem>>)
        %dma_wait3A_159 = tpu.memref_slice %arg5[%mul3A_60] : memref<640000xi32, #tpu.memory_space<hbm>> -> memref<80xi32, #tpu.memory_space<hbm>>
        %dma_wait3A_160 = tpu.memref_slice %arg5[%mul3A_60] : memref<640000xi32, #tpu.memory_space<hbm>> -> memref<80xi32, #tpu.memory_space<hbm>>
        tpu.wait_dma2 semaphore(%run_scoped3A : memref<!tpu.dma_semaphore, #tpu.memory_space<semaphore_mem>>) src(%dma_wait3A_160 : memref<80xi32, #tpu.memory_space<hbm>>) dst(%arg9 : memref<80xi32, #tpu.memory_space<vmem>>)
        tpu.yield
      }) : () -> ()
      %mul3A_61 = arith.constant 10000 : i32
      %mul3A_62 = arith.muli %add3A, %mul3A_61 : i32
      %mul3A_63 = arith.constant 40 : i32
      %mul3A_64 = arith.muli %add3A_53, %mul3A_63 : i32
      %add3A_65 = arith.addi %mul3A_62, %mul3A_64 : i32
      %dma_start3A_66 = arith.constant 0 : i32
      %dma_start3A_67 = tpu.memref_slice %arg9[%dma_start3A_66] : memref<80xi32, #tpu.memory_space<vmem>> -> memref<40xi32, #tpu.memory_space<vmem>>
      %dma_start3A_68 = arith.constant 0 : i32
      %dma_start3A_69 = arith.constant 0 : i32
      %dma_start3A_70 = tpu.memref_slice %arg2[%dma_start3A_68, %dma_start3A_69] : memref<10000x128xf32, #tpu.memory_space<hbm>> -> memref<10000x128xf32, #tpu.memory_space<hbm>>
      tpu.enqueue_indirect_dma source(%dma_start3A_70 : memref<10000x128xf32, #tpu.memory_space<hbm>>) target(%arg13 : memref<40x128xf32, #tpu.memory_space<vmem>>) offsets(%dma_start3A_67 : memref<40xi32, #tpu.memory_space<vmem>>) semaphore(%arg20 : memref<!tpu.dma_semaphore, #tpu.memory_space<semaphore_mem>>)
      %dma_start3A_71 = arith.constant 0 : i32
      %dma_start3A_72 = tpu.memref_slice %arg3[%add3A_65, %dma_start3A_71] : memref<320000x128xf32, #tpu.memory_space<hbm>> -> memref<40x128xf32, #tpu.memory_space<hbm>>
      %dma_start3A_73 = arith.constant 0 : i32
      %dma_start3A_74 = tpu.memref_slice %arg3[%add3A_65, %dma_start3A_73] : memref<320000x128xf32, #tpu.memory_space<hbm>> -> memref<40x128xf32, #tpu.memory_space<hbm>>
      tpu.enqueue_dma source(%dma_start3A_74 : memref<40x128xf32, #tpu.memory_space<hbm>>) target(%arg14 : memref<40x128xf32, #tpu.memory_space<vmem>>) target_semaphore(%arg21 : memref<!tpu.dma_semaphore, #tpu.memory_space<semaphore_mem>>)
      %dma_start3A_75 = arith.constant 0 : i32
      %dma_start3A_76 = tpu.memref_slice %arg4[%add3A_65, %dma_start3A_75] : memref<320000x128xf32, #tpu.memory_space<hbm>> -> memref<40x128xf32, #tpu.memory_space<hbm>>
      %dma_start3A_77 = arith.constant 0 : i32
      %dma_start3A_78 = tpu.memref_slice %arg4[%add3A_65, %dma_start3A_77] : memref<320000x128xf32, #tpu.memory_space<hbm>> -> memref<40x128xf32, #tpu.memory_space<hbm>>
      tpu.enqueue_dma source(%dma_start3A_78 : memref<40x128xf32, #tpu.memory_space<hbm>>) target(%arg15 : memref<40x128xf32, #tpu.memory_space<vmem>>) target_semaphore(%arg22 : memref<!tpu.dma_semaphore, #tpu.memory_space<semaphore_mem>>)
      %mul3A_79 = arith.constant 10000 : i32
      %mul3A_80 = arith.muli %add3A, %mul3A_79 : i32
      %mul3A_81 = arith.constant 40 : i32
      %mul3A_82 = arith.muli %mul3A_51, %mul3A_81 : i32
      %add3A_83 = arith.addi %mul3A_80, %mul3A_82 : i32
      %dma_wait3A_84 = arith.constant 0 : i32
      %dma_wait3A_85 = tpu.memref_slice %arg8[%dma_wait3A_84] : memref<80xi32, #tpu.memory_space<vmem>> -> memref<40xi32, #tpu.memory_space<vmem>>
      %dma_wait3A_86 = arith.constant 0 : i32
      %dma_wait3A_87 = arith.constant 0 : i32
      %dma_wait3A_88 = tpu.memref_slice %arg2[%dma_wait3A_86, %dma_wait3A_87] : memref<10000x128xf32, #tpu.memory_space<hbm>> -> memref<10000x128xf32, #tpu.memory_space<hbm>>
      tpu.wait_indirect_dma semaphore(%arg17 : memref<!tpu.dma_semaphore, #tpu.memory_space<semaphore_mem>>) src(%dma_wait3A_88 : memref<10000x128xf32, #tpu.memory_space<hbm>>) dst(%arg10 : memref<40x128xf32, #tpu.memory_space<vmem>>)
      %dma_wait3A_89 = arith.constant 0 : i32
      %dma_wait3A_90 = tpu.memref_slice %arg3[%add3A_83, %dma_wait3A_89] : memref<320000x128xf32, #tpu.memory_space<hbm>> -> memref<40x128xf32, #tpu.memory_space<hbm>>
      %dma_wait3A_91 = arith.constant 0 : i32
      %dma_wait3A_92 = tpu.memref_slice %arg3[%add3A_83, %dma_wait3A_91] : memref<320000x128xf32, #tpu.memory_space<hbm>> -> memref<40x128xf32, #tpu.memory_space<hbm>>
      tpu.wait_dma2 semaphore(%arg18 : memref<!tpu.dma_semaphore, #tpu.memory_space<semaphore_mem>>) src(%dma_wait3A_92 : memref<40x128xf32, #tpu.memory_space<hbm>>) dst(%arg11 : memref<40x128xf32, #tpu.memory_space<vmem>>)
      %dma_wait3A_93 = arith.constant 0 : i32
      %dma_wait3A_94 = tpu.memref_slice %arg4[%add3A_83, %dma_wait3A_93] : memref<320000x128xf32, #tpu.memory_space<hbm>> -> memref<40x128xf32, #tpu.memory_space<hbm>>
      %dma_wait3A_95 = arith.constant 0 : i32
      %dma_wait3A_96 = tpu.memref_slice %arg4[%add3A_83, %dma_wait3A_95] : memref<320000x128xf32, #tpu.memory_space<hbm>> -> memref<40x128xf32, #tpu.memory_space<hbm>>
      tpu.wait_dma2 semaphore(%arg19 : memref<!tpu.dma_semaphore, #tpu.memory_space<semaphore_mem>>) src(%dma_wait3A_96 : memref<40x128xf32, #tpu.memory_space<hbm>>) dst(%arg12 : memref<40x128xf32, #tpu.memory_space<vmem>>)
      %scan3A_97 = arith.constant 0 : i32
      %scan3A_98 = arith.constant 0 : i32
      %scan3A_99 = arith.constant 40 : i32
      %scan3A_100 = arith.addi %scan3A_98, %scan3A_99 : i32
      %scan3A_101 = arith.constant 2 : i32
      scf.for %scan3A_157 = %scan3A_98 to %scan3A_100 step %scan3A_101  : i32 {
        %get3A = arith.index_cast %scan3A_157 : i32 to index
        %get3A_158 = arith.constant 0 : index
        %get3A_159 = tpu.vector_load %arg10[%get3A, %get3A_158] {strides = array<i32>} : memref<40x128xf32, #tpu.memory_space<vmem>>, vector<1x16xf32>,
        %get3A_160 = vector.shape_cast %get3A_159 : vector<1x16xf32> to vector<16xf32>
        %get3A_161 = arith.index_cast %scan3A_157 : i32 to index
        %get3A_162 = arith.constant 0 : index
        %get3A_163 = tpu.vector_load %arg11[%get3A_161, %get3A_162] {strides = array<i32>} : memref<40x128xf32, #tpu.memory_space<vmem>>, vector<1x16xf32>,
        %get3A_164 = vector.shape_cast %get3A_163 : vector<1x16xf32> to vector<16xf32>
        %mul3A_165 = arith.mulf %get3A_160, %get3A_164 : vector<16xf32>
        %get3A_166 = arith.index_cast %scan3A_157 : i32 to index
        %get3A_167 = arith.constant 0 : index
        %get3A_168 = tpu.vector_load %arg12[%get3A_166, %get3A_167] {strides = array<i32>} : memref<40x128xf32, #tpu.memory_space<vmem>>, vector<1x16xf32>,
        %get3A_169 = vector.shape_cast %get3A_168 : vector<1x16xf32> to vector<16xf32>
        %add3A_170 = arith.addf %mul3A_165, %get3A_169 : vector<16xf32>
        %swap3A = arith.index_cast %scan3A_157 : i32 to index
        %swap3A_171 = arith.constant 0 : index
        %swap3A_172 = tpu.vector_load %arg10[%swap3A, %swap3A_171] {strides = array<i32>} : memref<40x128xf32, #tpu.memory_space<vmem>>, vector<1x16xf32>,
        %swap3A_173 = vector.shape_cast %swap3A_172 : vector<1x16xf32> to vector<16xf32>
        %swap3A_174 = vector.shape_cast %add3A_170 : vector<16xf32> to vector<1x16xf32>
        tpu.vector_store %arg10[%swap3A, %swap3A_171], %swap3A_174 {strides = array<i32>} : memref<40x128xf32, #tpu.memory_space<vmem>>, vector<1x16xf32>,
        %get3A_175 = arith.index_cast %scan3A_157 : i32 to index
        %get3A_176 = arith.constant 16 : index
        %get3A_177 = tpu.vector_load %arg10[%get3A_175, %get3A_176] {strides = array<i32>} : memref<40x128xf32, #tpu.memory_space<vmem>>, vector<1x16xf32>,
        %get3A_178 = vector.shape_cast %get3A_177 : vector<1x16xf32> to vector<16xf32>
        %get3A_179 = arith.index_cast %scan3A_157 : i32 to index
        %get3A_180 = arith.constant 16 : index
        %get3A_181 = tpu.vector_load %arg11[%get3A_179, %get3A_180] {strides = array<i32>} : memref<40x128xf32, #tpu.memory_space<vmem>>, vector<1x16xf32>,
        %get3A_182 = vector.shape_cast %get3A_181 : vector<1x16xf32> to vector<16xf32>
        %mul3A_183 = arith.mulf %get3A_178, %get3A_182 : vector<16xf32>
        %get3A_184 = arith.index_cast %scan3A_157 : i32 to index
        %get3A_185 = arith.constant 16 : index
        %get3A_186 = tpu.vector_load %arg12[%get3A_184, %get3A_185] {strides = array<i32>} : memref<40x128xf32, #tpu.memory_space<vmem>>, vector<1x16xf32>,
        %get3A_187 = vector.shape_cast %get3A_186 : vector<1x16xf32> to vector<16xf32>
        %add3A_188 = arith.addf %mul3A_183, %get3A_187 : vector<16xf32>
        %swap3A_189 = arith.index_cast %scan3A_157 : i32 to index
        %swap3A_190 = arith.constant 16 : index
        %swap3A_191 = tpu.vector_load %arg10[%swap3A_189, %swap3A_190] {strides = array<i32>} : memref<40x128xf32, #tpu.memory_space<vmem>>, vector<1x16xf32>,
        %swap3A_192 = vector.shape_cast %swap3A_191 : vector<1x16xf32> to vector<16xf32>
        %swap3A_193 = vector.shape_cast %add3A_188 : vector<16xf32> to vector<1x16xf32>
        tpu.vector_store %arg10[%swap3A_189, %swap3A_190], %swap3A_193 {strides = array<i32>} : memref<40x128xf32, #tpu.memory_space<vmem>>, vector<1x16xf32>,
        %get3A_194 = arith.index_cast %scan3A_157 : i32 to index
        %get3A_195 = arith.constant 32 : index
        %get3A_196 = tpu.vector_load %arg10[%get3A_194, %get3A_195] {strides = array<i32>} : memref<40x128xf32, #tpu.memory_space<vmem>>, vector<1x16xf32>,
        %get3A_197 = vector.shape_cast %get3A_196 : vector<1x16xf32> to vector<16xf32>
        %get3A_198 = arith.index_cast %scan3A_157 : i32 to index
        %get3A_199 = arith.constant 32 : index
        %get3A_200 = tpu.vector_load %arg11[%get3A_198, %get3A_199] {strides = array<i32>} : memref<40x128xf32, #tpu.memory_space<vmem>>, vector<1x16xf32>,
        %get3A_201 = vector.shape_cast %get3A_200 : vector<1x16xf32> to vector<16xf32>
        %mul3A_202 = arith.mulf %get3A_197, %get3A_201 : vector<16xf32>
        %get3A_203 = arith.index_cast %scan3A_157 : i32 to index
        %get3A_204 = arith.constant 32 : index
        %get3A_205 = tpu.vector_load %arg12[%get3A_203, %get3A_204] {strides = array<i32>} : memref<40x128xf32, #tpu.memory_space<vmem>>, vector<1x16xf32>,
        %get3A_206 = vector.shape_cast %get3A_205 : vector<1x16xf32> to vector<16xf32>
        %add3A_207 = arith.addf %mul3A_202, %get3A_206 : vector<16xf32>
        %swap3A_208 = arith.index_cast %scan3A_157 : i32 to index
        %swap3A_209 = arith.constant 32 : index
        %swap3A_210 = tpu.vector_load %arg10[%swap3A_208, %swap3A_209] {strides = array<i32>} : memref<40x128xf32, #tpu.memory_space<vmem>>, vector<1x16xf32>,
        %swap3A_211 = vector.shape_cast %swap3A_210 : vector<1x16xf32> to vector<16xf32>
        %swap3A_212 = vector.shape_cast %add3A_207 : vector<16xf32> to vector<1x16xf32>
        tpu.vector_store %arg10[%swap3A_208, %swap3A_209], %swap3A_212 {strides = array<i32>} : memref<40x128xf32, #tpu.memory_space<vmem>>, vector<1x16xf32>,
        %get3A_213 = arith.index_cast %scan3A_157 : i32 to index
        %get3A_214 = arith.constant 48 : index
        %get3A_215 = tpu.vector_load %arg10[%get3A_213, %get3A_214] {strides = array<i32>} : memref<40x128xf32, #tpu.memory_space<vmem>>, vector<1x16xf32>,
        %get3A_216 = vector.shape_cast %get3A_215 : vector<1x16xf32> to vector<16xf32>
        %get3A_217 = arith.index_cast %scan3A_157 : i32 to index
        %get3A_218 = arith.constant 48 : index
        %get3A_219 = tpu.vector_load %arg11[%get3A_217, %get3A_218] {strides = array<i32>} : memref<40x128xf32, #tpu.memory_space<vmem>>, vector<1x16xf32>,
        %get3A_220 = vector.shape_cast %get3A_219 : vector<1x16xf32> to vector<16xf32>
        %mul3A_221 = arith.mulf %get3A_216, %get3A_220 : vector<16xf32>
        %get3A_222 = arith.index_cast %scan3A_157 : i32 to index
        %get3A_223 = arith.constant 48 : index
        %get3A_224 = tpu.vector_load %arg12[%get3A_222, %get3A_223] {strides = array<i32>} : memref<40x128xf32, #tpu.memory_space<vmem>>, vector<1x16xf32>,
        %get3A_225 = vector.shape_cast %get3A_224 : vector<1x16xf32> to vector<16xf32>
        %add3A_226 = arith.addf %mul3A_221, %get3A_225 : vector<16xf32>
        %swap3A_227 = arith.index_cast %scan3A_157 : i32 to index
        %swap3A_228 = arith.constant 48 : index
        %swap3A_229 = tpu.vector_load %arg10[%swap3A_227, %swap3A_228] {strides = array<i32>} : memref<40x128xf32, #tpu.memory_space<vmem>>, vector<1x16xf32>,
        %swap3A_230 = vector.shape_cast %swap3A_229 : vector<1x16xf32> to vector<16xf32>
        %swap3A_231 = vector.shape_cast %add3A_226 : vector<16xf32> to vector<1x16xf32>
        tpu.vector_store %arg10[%swap3A_227, %swap3A_228], %swap3A_231 {strides = array<i32>} : memref<40x128xf32, #tpu.memory_space<vmem>>, vector<1x16xf32>,
        %get3A_232 = arith.index_cast %scan3A_157 : i32 to index
        %get3A_233 = arith.constant 64 : index
        %get3A_234 = tpu.vector_load %arg10[%get3A_232, %get3A_233] {strides = array<i32>} : memref<40x128xf32, #tpu.memory_space<vmem>>, vector<1x16xf32>,
        %get3A_235 = vector.shape_cast %get3A_234 : vector<1x16xf32> to vector<16xf32>
        %get3A_236 = arith.index_cast %scan3A_157 : i32 to index
        %get3A_237 = arith.constant 64 : index
        %get3A_238 = tpu.vector_load %arg11[%get3A_236, %get3A_237] {strides = array<i32>} : memref<40x128xf32, #tpu.memory_space<vmem>>, vector<1x16xf32>,
        %get3A_239 = vector.shape_cast %get3A_238 : vector<1x16xf32> to vector<16xf32>
        %mul3A_240 = arith.mulf %get3A_235, %get3A_239 : vector<16xf32>
        %get3A_241 = arith.index_cast %scan3A_157 : i32 to index
        %get3A_242 = arith.constant 64 : index
        %get3A_243 = tpu.vector_load %arg12[%get3A_241, %get3A_242] {strides = array<i32>} : memref<40x128xf32, #tpu.memory_space<vmem>>, vector<1x16xf32>,
        %get3A_244 = vector.shape_cast %get3A_243 : vector<1x16xf32> to vector<16xf32>
        %add3A_245 = arith.addf %mul3A_240, %get3A_244 : vector<16xf32>
        %swap3A_246 = arith.index_cast %scan3A_157 : i32 to index
        %swap3A_247 = arith.constant 64 : index
        %swap3A_248 = tpu.vector_load %arg10[%swap3A_246, %swap3A_247] {strides = array<i32>} : memref<40x128xf32, #tpu.memory_space<vmem>>, vector<1x16xf32>,
        %swap3A_249 = vector.shape_cast %swap3A_248 : vector<1x16xf32> to vector<16xf32>
        %swap3A_250 = vector.shape_cast %add3A_245 : vector<16xf32> to vector<1x16xf32>
        tpu.vector_store %arg10[%swap3A_246, %swap3A_247], %swap3A_250 {strides = array<i32>} : memref<40x128xf32, #tpu.memory_space<vmem>>, vector<1x16xf32>,
        %get3A_251 = arith.index_cast %scan3A_157 : i32 to index
        %get3A_252 = arith.constant 80 : index
        %get3A_253 = tpu.vector_load %arg10[%get3A_251, %get3A_252] {strides = array<i32>} : memref<40x128xf32, #tpu.memory_space<vmem>>, vector<1x16xf32>,
        %get3A_254 = vector.shape_cast %get3A_253 : vector<1x16xf32> to vector<16xf32>
        %get3A_255 = arith.index_cast %scan3A_157 : i32 to index
        %get3A_256 = arith.constant 80 : index
        %get3A_257 = tpu.vector_load %arg11[%get3A_255, %get3A_256] {strides = array<i32>} : memref<40x128xf32, #tpu.memory_space<vmem>>, vector<1x16xf32>,
        %get3A_258 = vector.shape_cast %get3A_257 : vector<1x16xf32> to vector<16xf32>
        %mul3A_259 = arith.mulf %get3A_254, %get3A_258 : vector<16xf32>
        %get3A_260 = arith.index_cast %scan3A_157 : i32 to index
        %get3A_261 = arith.constant 80 : index
        %get3A_262 = tpu.vector_load %arg12[%get3A_260, %get3A_261] {strides = array<i32>} : memref<40x128xf32, #tpu.memory_space<vmem>>, vector<1x16xf32>,
        %get3A_263 = vector.shape_cast %get3A_262 : vector<1x16xf32> to vector<16xf32>
        %add3A_264 = arith.addf %mul3A_259, %get3A_263 : vector<16xf32>
        %swap3A_265 = arith.index_cast %scan3A_157 : i32 to index
        %swap3A_266 = arith.constant 80 : index
        %swap3A_267 = tpu.vector_load %arg10[%swap3A_265, %swap3A_266] {strides = array<i32>} : memref<40x128xf32, #tpu.memory_space<vmem>>, vector<1x16xf32>,
        %swap3A_268 = vector.shape_cast %swap3A_267 : vector<1x16xf32> to vector<16xf32>
        %swap3A_269 = vector.shape_cast %add3A_264 : vector<16xf32> to vector<1x16xf32>
        tpu.vector_store %arg10[%swap3A_265, %swap3A_266], %swap3A_269 {strides = array<i32>} : memref<40x128xf32, #tpu.memory_space<vmem>>, vector<1x16xf32>,
        %get3A_270 = arith.index_cast %scan3A_157 : i32 to index
        %get3A_271 = arith.constant 96 : index
        %get3A_272 = tpu.vector_load %arg10[%get3A_270, %get3A_271] {strides = array<i32>} : memref<40x128xf32, #tpu.memory_space<vmem>>, vector<1x16xf32>,
        %get3A_273 = vector.shape_cast %get3A_272 : vector<1x16xf32> to vector<16xf32>
        %get3A_274 = arith.index_cast %scan3A_157 : i32 to index
        %get3A_275 = arith.constant 96 : index
        %get3A_276 = tpu.vector_load %arg11[%get3A_274, %get3A_275] {strides = array<i32>} : memref<40x128xf32, #tpu.memory_space<vmem>>, vector<1x16xf32>,
        %get3A_277 = vector.shape_cast %get3A_276 : vector<1x16xf32> to vector<16xf32>
        %mul3A_278 = arith.mulf %get3A_273, %get3A_277 : vector<16xf32>
        %get3A_279 = arith.index_cast %scan3A_157 : i32 to index
        %get3A_280 = arith.constant 96 : index
        %get3A_281 = tpu.vector_load %arg12[%get3A_279, %get3A_280] {strides = array<i32>} : memref<40x128xf32, #tpu.memory_space<vmem>>, vector<1x16xf32>,
        %get3A_282 = vector.shape_cast %get3A_281 : vector<1x16xf32> to vector<16xf32>
        %add3A_283 = arith.addf %mul3A_278, %get3A_282 : vector<16xf32>
        %swap3A_284 = arith.index_cast %scan3A_157 : i32 to index
        %swap3A_285 = arith.constant 96 : index
        %swap3A_286 = tpu.vector_load %arg10[%swap3A_284, %swap3A_285] {strides = array<i32>} : memref<40x128xf32, #tpu.memory_space<vmem>>, vector<1x16xf32>,
        %swap3A_287 = vector.shape_cast %swap3A_286 : vector<1x16xf32> to vector<16xf32>
        %swap3A_288 = vector.shape_cast %add3A_283 : vector<16xf32> to vector<1x16xf32>
        tpu.vector_store %arg10[%swap3A_284, %swap3A_285], %swap3A_288 {strides = array<i32>} : memref<40x128xf32, #tpu.memory_space<vmem>>, vector<1x16xf32>,
        %get3A_289 = arith.index_cast %scan3A_157 : i32 to index
        %get3A_290 = arith.constant 112 : index
        %get3A_291 = tpu.vector_load %arg10[%get3A_289, %get3A_290] {strides = array<i32>} : memref<40x128xf32, #tpu.memory_space<vmem>>, vector<1x16xf32>,
        %get3A_292 = vector.shape_cast %get3A_291 : vector<1x16xf32> to vector<16xf32>
        %get3A_293 = arith.index_cast %scan3A_157 : i32 to index
        %get3A_294 = arith.constant 112 : index
        %get3A_295 = tpu.vector_load %arg11[%get3A_293, %get3A_294] {strides = array<i32>} : memref<40x128xf32, #tpu.memory_space<vmem>>, vector<1x16xf32>,
        %get3A_296 = vector.shape_cast %get3A_295 : vector<1x16xf32> to vector<16xf32>
        %mul3A_297 = arith.mulf %get3A_292, %get3A_296 : vector<16xf32>
        %get3A_298 = arith.index_cast %scan3A_157 : i32 to index
        %get3A_299 = arith.constant 112 : index
        %get3A_300 = tpu.vector_load %arg12[%get3A_298, %get3A_299] {strides = array<i32>} : memref<40x128xf32, #tpu.memory_space<vmem>>, vector<1x16xf32>,
        %get3A_301 = vector.shape_cast %get3A_300 : vector<1x16xf32> to vector<16xf32>
        %add3A_302 = arith.addf %mul3A_297, %get3A_301 : vector<16xf32>
        %swap3A_303 = arith.index_cast %scan3A_157 : i32 to index
        %swap3A_304 = arith.constant 112 : index
        %swap3A_305 = tpu.vector_load %arg10[%swap3A_303, %swap3A_304] {strides = array<i32>} : memref<40x128xf32, #tpu.memory_space<vmem>>, vector<1x16xf32>,
        %swap3A_306 = vector.shape_cast %swap3A_305 : vector<1x16xf32> to vector<16xf32>
        %swap3A_307 = vector.shape_cast %add3A_302 : vector<16xf32> to vector<1x16xf32>
        tpu.vector_store %arg10[%swap3A_303, %swap3A_304], %swap3A_307 {strides = array<i32>} : memref<40x128xf32, #tpu.memory_space<vmem>>, vector<1x16xf32>,
        %scan3A_308 = arith.constant 1 : i32
        %scan3A_309 = arith.addi %scan3A_157, %scan3A_308 : i32
        %get3A_310 = arith.index_cast %scan3A_309 : i32 to index
        %get3A_311 = arith.constant 0 : index
        %get3A_312 = tpu.vector_load %arg10[%get3A_310, %get3A_311] {strides = array<i32>} : memref<40x128xf32, #tpu.memory_space<vmem>>, vector<1x16xf32>,
        %get3A_313 = vector.shape_cast %get3A_312 : vector<1x16xf32> to vector<16xf32>
        %get3A_314 = arith.index_cast %scan3A_309 : i32 to index
        %get3A_315 = arith.constant 0 : index
        %get3A_316 = tpu.vector_load %arg11[%get3A_314, %get3A_315] {strides = array<i32>} : memref<40x128xf32, #tpu.memory_space<vmem>>, vector<1x16xf32>,
        %get3A_317 = vector.shape_cast %get3A_316 : vector<1x16xf32> to vector<16xf32>
        %mul3A_318 = arith.mulf %get3A_313, %get3A_317 : vector<16xf32>
        %get3A_319 = arith.index_cast %scan3A_309 : i32 to index
        %get3A_320 = arith.constant 0 : index
        %get3A_321 = tpu.vector_load %arg12[%get3A_319, %get3A_320] {strides = array<i32>} : memref<40x128xf32, #tpu.memory_space<vmem>>, vector<1x16xf32>,
        %get3A_322 = vector.shape_cast %get3A_321 : vector<1x16xf32> to vector<16xf32>
        %add3A_323 = arith.addf %mul3A_318, %get3A_322 : vector<16xf32>
        %swap3A_324 = arith.index_cast %scan3A_309 : i32 to index
        %swap3A_325 = arith.constant 0 : index
        %swap3A_326 = tpu.vector_load %arg10[%swap3A_324, %swap3A_325] {strides = array<i32>} : memref<40x128xf32, #tpu.memory_space<vmem>>, vector<1x16xf32>,
        %swap3A_327 = vector.shape_cast %swap3A_326 : vector<1x16xf32> to vector<16xf32>
        %swap3A_328 = vector.shape_cast %add3A_323 : vector<16xf32> to vector<1x16xf32>
        tpu.vector_store %arg10[%swap3A_324, %swap3A_325], %swap3A_328 {strides = array<i32>} : memref<40x128xf32, #tpu.memory_space<vmem>>, vector<1x16xf32>,
        %get3A_329 = arith.index_cast %scan3A_309 : i32 to index
        %get3A_330 = arith.constant 16 : index
        %get3A_331 = tpu.vector_load %arg10[%get3A_329, %get3A_330] {strides = array<i32>} : memref<40x128xf32, #tpu.memory_space<vmem>>, vector<1x16xf32>,
        %get3A_332 = vector.shape_cast %get3A_331 : vector<1x16xf32> to vector<16xf32>
        %get3A_333 = arith.index_cast %scan3A_309 : i32 to index
        %get3A_334 = arith.constant 16 : index
        %get3A_335 = tpu.vector_load %arg11[%get3A_333, %get3A_334] {strides = array<i32>} : memref<40x128xf32, #tpu.memory_space<vmem>>, vector<1x16xf32>,
        %get3A_336 = vector.shape_cast %get3A_335 : vector<1x16xf32> to vector<16xf32>
        %mul3A_337 = arith.mulf %get3A_332, %get3A_336 : vector<16xf32>
        %get3A_338 = arith.index_cast %scan3A_309 : i32 to index
        %get3A_339 = arith.constant 16 : index
        %get3A_340 = tpu.vector_load %arg12[%get3A_338, %get3A_339] {strides = array<i32>} : memref<40x128xf32, #tpu.memory_space<vmem>>, vector<1x16xf32>,
        %get3A_341 = vector.shape_cast %get3A_340 : vector<1x16xf32> to vector<16xf32>
        %add3A_342 = arith.addf %mul3A_337, %get3A_341 : vector<16xf32>
        %swap3A_343 = arith.index_cast %scan3A_309 : i32 to index
        %swap3A_344 = arith.constant 16 : index
        %swap3A_345 = tpu.vector_load %arg10[%swap3A_343, %swap3A_344] {strides = array<i32>} : memref<40x128xf32, #tpu.memory_space<vmem>>, vector<1x16xf32>,
        %swap3A_346 = vector.shape_cast %swap3A_345 : vector<1x16xf32> to vector<16xf32>
        %swap3A_347 = vector.shape_cast %add3A_342 : vector<16xf32> to vector<1x16xf32>
        tpu.vector_store %arg10[%swap3A_343, %swap3A_344], %swap3A_347 {strides = array<i32>} : memref<40x128xf32, #tpu.memory_space<vmem>>, vector<1x16xf32>,
        %get3A_348 = arith.index_cast %scan3A_309 : i32 to index
        %get3A_349 = arith.constant 32 : index
        %get3A_350 = tpu.vector_load %arg10[%get3A_348, %get3A_349] {strides = array<i32>} : memref<40x128xf32, #tpu.memory_space<vmem>>, vector<1x16xf32>,
        %get3A_351 = vector.shape_cast %get3A_350 : vector<1x16xf32> to vector<16xf32>
        %get3A_352 = arith.index_cast %scan3A_309 : i32 to index
        %get3A_353 = arith.constant 32 : index
        %get3A_354 = tpu.vector_load %arg11[%get3A_352, %get3A_353] {strides = array<i32>} : memref<40x128xf32, #tpu.memory_space<vmem>>, vector<1x16xf32>,
        %get3A_355 = vector.shape_cast %get3A_354 : vector<1x16xf32> to vector<16xf32>
        %mul3A_356 = arith.mulf %get3A_351, %get3A_355 : vector<16xf32>
        %get3A_357 = arith.index_cast %scan3A_309 : i32 to index
        %get3A_358 = arith.constant 32 : index
        %get3A_359 = tpu.vector_load %arg12[%get3A_357, %get3A_358] {strides = array<i32>} : memref<40x128xf32, #tpu.memory_space<vmem>>, vector<1x16xf32>,
        %get3A_360 = vector.shape_cast %get3A_359 : vector<1x16xf32> to vector<16xf32>
        %add3A_361 = arith.addf %mul3A_356, %get3A_360 : vector<16xf32>
        %swap3A_362 = arith.index_cast %scan3A_309 : i32 to index
        %swap3A_363 = arith.constant 32 : index
        %swap3A_364 = tpu.vector_load %arg10[%swap3A_362, %swap3A_363] {strides = array<i32>} : memref<40x128xf32, #tpu.memory_space<vmem>>, vector<1x16xf32>,
        %swap3A_365 = vector.shape_cast %swap3A_364 : vector<1x16xf32> to vector<16xf32>
        %swap3A_366 = vector.shape_cast %add3A_361 : vector<16xf32> to vector<1x16xf32>
        tpu.vector_store %arg10[%swap3A_362, %swap3A_363], %swap3A_366 {strides = array<i32>} : memref<40x128xf32, #tpu.memory_space<vmem>>, vector<1x16xf32>,
        %get3A_367 = arith.index_cast %scan3A_309 : i32 to index
        %get3A_368 = arith.constant 48 : index
        %get3A_369 = tpu.vector_load %arg10[%get3A_367, %get3A_368] {strides = array<i32>} : memref<40x128xf32, #tpu.memory_space<vmem>>, vector<1x16xf32>,
        %get3A_370 = vector.shape_cast %get3A_369 : vector<1x16xf32> to vector<16xf32>
        %get3A_371 = arith.index_cast %scan3A_309 : i32 to index
        %get3A_372 = arith.constant 48 : index
        %get3A_373 = tpu.vector_load %arg11[%get3A_371, %get3A_372] {strides = array<i32>} : memref<40x128xf32, #tpu.memory_space<vmem>>, vector<1x16xf32>,
        %get3A_374 = vector.shape_cast %get3A_373 : vector<1x16xf32> to vector<16xf32>
        %mul3A_375 = arith.mulf %get3A_370, %get3A_374 : vector<16xf32>
        %get3A_376 = arith.index_cast %scan3A_309 : i32 to index
        %get3A_377 = arith.constant 48 : index
        %get3A_378 = tpu.vector_load %arg12[%get3A_376, %get3A_377] {strides = array<i32>} : memref<40x128xf32, #tpu.memory_space<vmem>>, vector<1x16xf32>,
        %get3A_379 = vector.shape_cast %get3A_378 : vector<1x16xf32> to vector<16xf32>
        %add3A_380 = arith.addf %mul3A_375, %get3A_379 : vector<16xf32>
        %swap3A_381 = arith.index_cast %scan3A_309 : i32 to index
        %swap3A_382 = arith.constant 48 : index
        %swap3A_383 = tpu.vector_load %arg10[%swap3A_381, %swap3A_382] {strides = array<i32>} : memref<40x128xf32, #tpu.memory_space<vmem>>, vector<1x16xf32>,
        %swap3A_384 = vector.shape_cast %swap3A_383 : vector<1x16xf32> to vector<16xf32>
        %swap3A_385 = vector.shape_cast %add3A_380 : vector<16xf32> to vector<1x16xf32>
        tpu.vector_store %arg10[%swap3A_381, %swap3A_382], %swap3A_385 {strides = array<i32>} : memref<40x128xf32, #tpu.memory_space<vmem>>, vector<1x16xf32>,
        %get3A_386 = arith.index_cast %scan3A_309 : i32 to index
        %get3A_387 = arith.constant 64 : index
        %get3A_388 = tpu.vector_load %arg10[%get3A_386, %get3A_387] {strides = array<i32>} : memref<40x128xf32, #tpu.memory_space<vmem>>, vector<1x16xf32>,
        %get3A_389 = vector.shape_cast %get3A_388 : vector<1x16xf32> to vector<16xf32>
        %get3A_390 = arith.index_cast %scan3A_309 : i32 to index
        %get3A_391 = arith.constant 64 : index
        %get3A_392 = tpu.vector_load %arg11[%get3A_390, %get3A_391] {strides = array<i32>} : memref<40x128xf32, #tpu.memory_space<vmem>>, vector<1x16xf32>,
        %get3A_393 = vector.shape_cast %get3A_392 : vector<1x16xf32> to vector<16xf32>
        %mul3A_394 = arith.mulf %get3A_389, %get3A_393 : vector<16xf32>
        %get3A_395 = arith.index_cast %scan3A_309 : i32 to index
        %get3A_396 = arith.constant 64 : index
        %get3A_397 = tpu.vector_load %arg12[%get3A_395, %get3A_396] {strides = array<i32>} : memref<40x128xf32, #tpu.memory_space<vmem>>, vector<1x16xf32>,
        %get3A_398 = vector.shape_cast %get3A_397 : vector<1x16xf32> to vector<16xf32>
        %add3A_399 = arith.addf %mul3A_394, %get3A_398 : vector<16xf32>
        %swap3A_400 = arith.index_cast %scan3A_309 : i32 to index
        %swap3A_401 = arith.constant 64 : index
        %swap3A_402 = tpu.vector_load %arg10[%swap3A_400, %swap3A_401] {strides = array<i32>} : memref<40x128xf32, #tpu.memory_space<vmem>>, vector<1x16xf32>,
        %swap3A_403 = vector.shape_cast %swap3A_402 : vector<1x16xf32> to vector<16xf32>
        %swap3A_404 = vector.shape_cast %add3A_399 : vector<16xf32> to vector<1x16xf32>
        tpu.vector_store %arg10[%swap3A_400, %swap3A_401], %swap3A_404 {strides = array<i32>} : memref<40x128xf32, #tpu.memory_space<vmem>>, vector<1x16xf32>,
        %get3A_405 = arith.index_cast %scan3A_309 : i32 to index
        %get3A_406 = arith.constant 80 : index
        %get3A_407 = tpu.vector_load %arg10[%get3A_405, %get3A_406] {strides = array<i32>} : memref<40x128xf32, #tpu.memory_space<vmem>>, vector<1x16xf32>,
        %get3A_408 = vector.shape_cast %get3A_407 : vector<1x16xf32> to vector<16xf32>
        %get3A_409 = arith.index_cast %scan3A_309 : i32 to index
        %get3A_410 = arith.constant 80 : index
        %get3A_411 = tpu.vector_load %arg11[%get3A_409, %get3A_410] {strides = array<i32>} : memref<40x128xf32, #tpu.memory_space<vmem>>, vector<1x16xf32>,
        %get3A_412 = vector.shape_cast %get3A_411 : vector<1x16xf32> to vector<16xf32>
        %mul3A_413 = arith.mulf %get3A_408, %get3A_412 : vector<16xf32>
        %get3A_414 = arith.index_cast %scan3A_309 : i32 to index
        %get3A_415 = arith.constant 80 : index
        %get3A_416 = tpu.vector_load %arg12[%get3A_414, %get3A_415] {strides = array<i32>} : memref<40x128xf32, #tpu.memory_space<vmem>>, vector<1x16xf32>,
        %get3A_417 = vector.shape_cast %get3A_416 : vector<1x16xf32> to vector<16xf32>
        %add3A_418 = arith.addf %mul3A_413, %get3A_417 : vector<16xf32>
        %swap3A_419 = arith.index_cast %scan3A_309 : i32 to index
        %swap3A_420 = arith.constant 80 : index
        %swap3A_421 = tpu.vector_load %arg10[%swap3A_419, %swap3A_420] {strides = array<i32>} : memref<40x128xf32, #tpu.memory_space<vmem>>, vector<1x16xf32>,
        %swap3A_422 = vector.shape_cast %swap3A_421 : vector<1x16xf32> to vector<16xf32>
        %swap3A_423 = vector.shape_cast %add3A_418 : vector<16xf32> to vector<1x16xf32>
        tpu.vector_store %arg10[%swap3A_419, %swap3A_420], %swap3A_423 {strides = array<i32>} : memref<40x128xf32, #tpu.memory_space<vmem>>, vector<1x16xf32>,
        %get3A_424 = arith.index_cast %scan3A_309 : i32 to index
        %get3A_425 = arith.constant 96 : index
        %get3A_426 = tpu.vector_load %arg10[%get3A_424, %get3A_425] {strides = array<i32>} : memref<40x128xf32, #tpu.memory_space<vmem>>, vector<1x16xf32>,
        %get3A_427 = vector.shape_cast %get3A_426 : vector<1x16xf32> to vector<16xf32>
        %get3A_428 = arith.index_cast %scan3A_309 : i32 to index
        %get3A_429 = arith.constant 96 : index
        %get3A_430 = tpu.vector_load %arg11[%get3A_428, %get3A_429] {strides = array<i32>} : memref<40x128xf32, #tpu.memory_space<vmem>>, vector<1x16xf32>,
        %get3A_431 = vector.shape_cast %get3A_430 : vector<1x16xf32> to vector<16xf32>
        %mul3A_432 = arith.mulf %get3A_427, %get3A_431 : vector<16xf32>
        %get3A_433 = arith.index_cast %scan3A_309 : i32 to index
        %get3A_434 = arith.constant 96 : index
        %get3A_435 = tpu.vector_load %arg12[%get3A_433, %get3A_434] {strides = array<i32>} : memref<40x128xf32, #tpu.memory_space<vmem>>, vector<1x16xf32>,
        %get3A_436 = vector.shape_cast %get3A_435 : vector<1x16xf32> to vector<16xf32>
        %add3A_437 = arith.addf %mul3A_432, %get3A_436 : vector<16xf32>
        %swap3A_438 = arith.index_cast %scan3A_309 : i32 to index
        %swap3A_439 = arith.constant 96 : index
        %swap3A_440 = tpu.vector_load %arg10[%swap3A_438, %swap3A_439] {strides = array<i32>} : memref<40x128xf32, #tpu.memory_space<vmem>>, vector<1x16xf32>,
        %swap3A_441 = vector.shape_cast %swap3A_440 : vector<1x16xf32> to vector<16xf32>
        %swap3A_442 = vector.shape_cast %add3A_437 : vector<16xf32> to vector<1x16xf32>
        tpu.vector_store %arg10[%swap3A_438, %swap3A_439], %swap3A_442 {strides = array<i32>} : memref<40x128xf32, #tpu.memory_space<vmem>>, vector<1x16xf32>,
        %get3A_443 = arith.index_cast %scan3A_309 : i32 to index
        %get3A_444 = arith.constant 112 : index
        %get3A_445 = tpu.vector_load %arg10[%get3A_443, %get3A_444] {strides = array<i32>} : memref<40x128xf32, #tpu.memory_space<vmem>>, vector<1x16xf32>,
        %get3A_446 = vector.shape_cast %get3A_445 : vector<1x16xf32> to vector<16xf32>
        %get3A_447 = arith.index_cast %scan3A_309 : i32 to index
        %get3A_448 = arith.constant 112 : index
        %get3A_449 = tpu.vector_load %arg11[%get3A_447, %get3A_448] {strides = array<i32>} : memref<40x128xf32, #tpu.memory_space<vmem>>, vector<1x16xf32>,
        %get3A_450 = vector.shape_cast %get3A_449 : vector<1x16xf32> to vector<16xf32>
        %mul3A_451 = arith.mulf %get3A_446, %get3A_450 : vector<16xf32>
        %get3A_452 = arith.index_cast %scan3A_309 : i32 to index
        %get3A_453 = arith.constant 112 : index
        %get3A_454 = tpu.vector_load %arg12[%get3A_452, %get3A_453] {strides = array<i32>} : memref<40x128xf32, #tpu.memory_space<vmem>>, vector<1x16xf32>,
        %get3A_455 = vector.shape_cast %get3A_454 : vector<1x16xf32> to vector<16xf32>
        %add3A_456 = arith.addf %mul3A_451, %get3A_455 : vector<16xf32>
        %swap3A_457 = arith.index_cast %scan3A_309 : i32 to index
        %swap3A_458 = arith.constant 112 : index
        %swap3A_459 = tpu.vector_load %arg10[%swap3A_457, %swap3A_458] {strides = array<i32>} : memref<40x128xf32, #tpu.memory_space<vmem>>, vector<1x16xf32>,
        %swap3A_460 = vector.shape_cast %swap3A_459 : vector<1x16xf32> to vector<16xf32>
        %swap3A_461 = vector.shape_cast %add3A_456 : vector<16xf32> to vector<1x16xf32>
        tpu.vector_store %arg10[%swap3A_457, %swap3A_458], %swap3A_461 {strides = array<i32>} : memref<40x128xf32, #tpu.memory_space<vmem>>, vector<1x16xf32>,
      }
      %scan3A_102 = arith.constant 40 : i32
      "tpu.region"() ({
        %run_scoped3A = tpu.sem_alloc : memref<!tpu.dma_semaphore, #tpu.memory_space<semaphore_mem>>
        %dma_start3A_157 = arith.constant 40 : i32
        %dma_start3A_158 = tpu.memref_slice %arg8[%dma_start3A_157] : memref<80xi32, #tpu.memory_space<vmem>> -> memref<40xi32, #tpu.memory_space<vmem>>
        %dma_start3A_159 = arith.constant 0 : i32
        %dma_start3A_160 = arith.constant 0 : i32
        %dma_start3A_161 = tpu.memref_slice %arg16[%dma_start3A_159, %dma_start3A_160] : memref<10240x128xf32, #tpu.memory_space<vmem_shared>> -> memref<10240x128xf32, #tpu.memory_space<vmem_shared>>
        tpu.enqueue_indirect_dma source(%arg10 : memref<40x128xf32, #tpu.memory_space<vmem>>) target(%dma_start3A_161 : memref<10240x128xf32, #tpu.memory_space<vmem_shared>>) offsets(%dma_start3A_158 : memref<40xi32, #tpu.memory_space<vmem>>) semaphore(%run_scoped3A : memref<!tpu.dma_semaphore, #tpu.memory_space<semaphore_mem>>) {add = true}
        %dma_wait3A_162 = arith.constant 40 : i32
        %dma_wait3A_163 = tpu.memref_slice %arg8[%dma_wait3A_162] : memref<80xi32, #tpu.memory_space<vmem>> -> memref<40xi32, #tpu.memory_space<vmem>>
        %dma_wait3A_164 = arith.constant 0 : i32
        %dma_wait3A_165 = arith.constant 0 : i32
        %dma_wait3A_166 = tpu.memref_slice %arg16[%dma_wait3A_164, %dma_wait3A_165] : memref<10240x128xf32, #tpu.memory_space<vmem_shared>> -> memref<10240x128xf32, #tpu.memory_space<vmem_shared>>
        tpu.wait_indirect_dma semaphore(%run_scoped3A : memref<!tpu.dma_semaphore, #tpu.memory_space<semaphore_mem>>) src(%arg10 : memref<40x128xf32, #tpu.memory_space<vmem>>) dst(%dma_wait3A_166 : memref<10240x128xf32, #tpu.memory_space<vmem_shared>>)
        tpu.yield
      }) : () -> ()
      %add3A_103 = arith.constant 2 : i32
      %add3A_104 = arith.addi %mul3A_51, %add3A_103 : i32
      %min3A = arith.constant 249 : i32
      %min3A_105 = arith.minsi %add3A_104, %min3A : i32
      %mul3A_106 = arith.constant 250 : i32
      %mul3A_107 = arith.muli %add3A, %mul3A_106 : i32
      %add3A_108 = arith.addi %mul3A_107, %min3A_105 : i32
      %mul3A_109 = arith.constant 2 : i32
      %mul3A_110 = arith.muli %add3A_108, %mul3A_109 : i32
      %mul3A_111 = arith.constant 40 : i32
      %mul3A_112 = arith.muli %mul3A_110, %mul3A_111 : i32
      "tpu.region"() ({
        %run_scoped3A = tpu.sem_alloc : memref<!tpu.dma_semaphore, #tpu.memory_space<semaphore_mem>>
        %dma_start3A_157 = tpu.memref_slice %arg5[%mul3A_112] : memref<640000xi32, #tpu.memory_space<hbm>> -> memref<80xi32, #tpu.memory_space<hbm>>
        %dma_start3A_158 = tpu.memref_slice %arg5[%mul3A_112] : memref<640000xi32, #tpu.memory_space<hbm>> -> memref<80xi32, #tpu.memory_space<hbm>>
        tpu.enqueue_dma source(%dma_start3A_158 : memref<80xi32, #tpu.memory_space<hbm>>) target(%arg8 : memref<80xi32, #tpu.memory_space<vmem>>) target_semaphore(%run_scoped3A : memref<!tpu.dma_semaphore, #tpu.memory_space<semaphore_mem>>)
        %dma_wait3A_159 = tpu.memref_slice %arg5[%mul3A_112] : memref<640000xi32, #tpu.memory_space<hbm>> -> memref<80xi32, #tpu.memory_space<hbm>>
        %dma_wait3A_160 = tpu.memref_slice %arg5[%mul3A_112] : memref<640000xi32, #tpu.memory_space<hbm>> -> memref<80xi32, #tpu.memory_space<hbm>>
        tpu.wait_dma2 semaphore(%run_scoped3A : memref<!tpu.dma_semaphore, #tpu.memory_space<semaphore_mem>>) src(%dma_wait3A_160 : memref<80xi32, #tpu.memory_space<hbm>>) dst(%arg8 : memref<80xi32, #tpu.memory_space<vmem>>)
        tpu.yield
      }) : () -> ()
      %mul3A_113 = arith.constant 10000 : i32
      %mul3A_114 = arith.muli %add3A, %mul3A_113 : i32
      %mul3A_115 = arith.constant 40 : i32
      %mul3A_116 = arith.muli %min3A_105, %mul3A_115 : i32
      %add3A_117 = arith.addi %mul3A_114, %mul3A_116 : i32
      %dma_start3A_118 = arith.constant 0 : i32
      %dma_start3A_119 = tpu.memref_slice %arg8[%dma_start3A_118] : memref<80xi32, #tpu.memory_space<vmem>> -> memref<40xi32, #tpu.memory_space<vmem>>
      %dma_start3A_120 = arith.constant 0 : i32
      %dma_start3A_121 = arith.constant 0 : i32
      %dma_start3A_122 = tpu.memref_slice %arg2[%dma_start3A_120, %dma_start3A_121] : memref<10000x128xf32, #tpu.memory_space<hbm>> -> memref<10000x128xf32, #tpu.memory_space<hbm>>
      tpu.enqueue_indirect_dma source(%dma_start3A_122 : memref<10000x128xf32, #tpu.memory_space<hbm>>) target(%arg10 : memref<40x128xf32, #tpu.memory_space<vmem>>) offsets(%dma_start3A_119 : memref<40xi32, #tpu.memory_space<vmem>>) semaphore(%arg17 : memref<!tpu.dma_semaphore, #tpu.memory_space<semaphore_mem>>)
      %dma_start3A_123 = arith.constant 0 : i32
      %dma_start3A_124 = tpu.memref_slice %arg3[%add3A_117, %dma_start3A_123] : memref<320000x128xf32, #tpu.memory_space<hbm>> -> memref<40x128xf32, #tpu.memory_space<hbm>>
      %dma_start3A_125 = arith.constant 0 : i32
      %dma_start3A_126 = tpu.memref_slice %arg3[%add3A_117, %dma_start3A_125] : memref<320000x128xf32, #tpu.memory_space<hbm>> -> memref<40x128xf32, #tpu.memory_space<hbm>>
      tpu.enqueue_dma source(%dma_start3A_126 : memref<40x128xf32, #tpu.memory_space<hbm>>) target(%arg11 : memref<40x128xf32, #tpu.memory_space<vmem>>) target_semaphore(%arg18 : memref<!tpu.dma_semaphore, #tpu.memory_space<semaphore_mem>>)
      %dma_start3A_127 = arith.constant 0 : i32
      %dma_start3A_128 = tpu.memref_slice %arg4[%add3A_117, %dma_start3A_127] : memref<320000x128xf32, #tpu.memory_space<hbm>> -> memref<40x128xf32, #tpu.memory_space<hbm>>
      %dma_start3A_129 = arith.constant 0 : i32
      %dma_start3A_130 = tpu.memref_slice %arg4[%add3A_117, %dma_start3A_129] : memref<320000x128xf32, #tpu.memory_space<hbm>> -> memref<40x128xf32, #tpu.memory_space<hbm>>
      tpu.enqueue_dma source(%dma_start3A_130 : memref<40x128xf32, #tpu.memory_space<hbm>>) target(%arg12 : memref<40x128xf32, #tpu.memory_space<vmem>>) target_semaphore(%arg19 : memref<!tpu.dma_semaphore, #tpu.memory_space<semaphore_mem>>)
      %add3A_131 = arith.constant 1 : i32
      %add3A_132 = arith.addi %mul3A_51, %add3A_131 : i32
      %mul3A_133 = arith.constant 10000 : i32
      %mul3A_134 = arith.muli %add3A, %mul3A_133 : i32
      %mul3A_135 = arith.constant 40 : i32
      %mul3A_136 = arith.muli %add3A_132, %mul3A_135 : i32
      %add3A_137 = arith.addi %mul3A_134, %mul3A_136 : i32
      %dma_wait3A_138 = arith.constant 0 : i32
      %dma_wait3A_139 = tpu.memref_slice %arg9[%dma_wait3A_138] : memref<80xi32, #tpu.memory_space<vmem>> -> memref<40xi32, #tpu.memory_space<vmem>>
      %dma_wait3A_140 = arith.constant 0 : i32
      %dma_wait3A_141 = arith.constant 0 : i32
      %dma_wait3A_142 = tpu.memref_slice %arg2[%dma_wait3A_140, %dma_wait3A_141] : memref<10000x128xf32, #tpu.memory_space<hbm>> -> memref<10000x128xf32, #tpu.memory_space<hbm>>
      tpu.wait_indirect_dma semaphore(%arg20 : memref<!tpu.dma_semaphore, #tpu.memory_space<semaphore_mem>>) src(%dma_wait3A_142 : memref<10000x128xf32, #tpu.memory_space<hbm>>) dst(%arg13 : memref<40x128xf32, #tpu.memory_space<vmem>>)
      %dma_wait3A_143 = arith.constant 0 : i32
      %dma_wait3A_144 = tpu.memref_slice %arg3[%add3A_137, %dma_wait3A_143] : memref<320000x128xf32, #tpu.memory_space<hbm>> -> memref<40x128xf32, #tpu.memory_space<hbm>>
      %dma_wait3A_145 = arith.constant 0 : i32
      %dma_wait3A_146 = tpu.memref_slice %arg3[%add3A_137, %dma_wait3A_145] : memref<320000x128xf32, #tpu.memory_space<hbm>> -> memref<40x128xf32, #tpu.memory_space<hbm>>
      tpu.wait_dma2 semaphore(%arg21 : memref<!tpu.dma_semaphore, #tpu.memory_space<semaphore_mem>>) src(%dma_wait3A_146 : memref<40x128xf32, #tpu.memory_space<hbm>>) dst(%arg14 : memref<40x128xf32, #tpu.memory_space<vmem>>)
      %dma_wait3A_147 = arith.constant 0 : i32
      %dma_wait3A_148 = tpu.memref_slice %arg4[%add3A_137, %dma_wait3A_147] : memref<320000x128xf32, #tpu.memory_space<hbm>> -> memref<40x128xf32, #tpu.memory_space<hbm>>
      %dma_wait3A_149 = arith.constant 0 : i32
      %dma_wait3A_150 = tpu.memref_slice %arg4[%add3A_137, %dma_wait3A_149] : memref<320000x128xf32, #tpu.memory_space<hbm>> -> memref<40x128xf32, #tpu.memory_space<hbm>>
      tpu.wait_dma2 semaphore(%arg22 : memref<!tpu.dma_semaphore, #tpu.memory_space<semaphore_mem>>) src(%dma_wait3A_150 : memref<40x128xf32, #tpu.memory_space<hbm>>) dst(%arg15 : memref<40x128xf32, #tpu.memory_space<vmem>>)
      %scan3A_151 = arith.constant 0 : i32
      %scan3A_152 = arith.constant 0 : i32
      %scan3A_153 = arith.constant 40 : i32
      %scan3A_154 = arith.addi %scan3A_152, %scan3A_153 : i32
      %scan3A_155 = arith.constant 2 : i32
      scf.for %scan3A_157 = %scan3A_152 to %scan3A_154 step %scan3A_155  : i32 {
        %get3A = arith.index_cast %scan3A_157 : i32 to index
        %get3A_158 = arith.constant 0 : index
        %get3A_159 = tpu.vector_load %arg13[%get3A, %get3A_158] {strides = array<i32>} : memref<40x128xf32, #tpu.memory_space<vmem>>, vector<1x16xf32>,
        %get3A_160 = vector.shape_cast %get3A_159 : vector<1x16xf32> to vector<16xf32>
        %get3A_161 = arith.index_cast %scan3A_157 : i32 to index
        %get3A_162 = arith.constant 0 : index
        %get3A_163 = tpu.vector_load %arg14[%get3A_161, %get3A_162] {strides = array<i32>} : memref<40x128xf32, #tpu.memory_space<vmem>>, vector<1x16xf32>,
        %get3A_164 = vector.shape_cast %get3A_163 : vector<1x16xf32> to vector<16xf32>
        %mul3A_165 = arith.mulf %get3A_160, %get3A_164 : vector<16xf32>
        %get3A_166 = arith.index_cast %scan3A_157 : i32 to index
        %get3A_167 = arith.constant 0 : index
        %get3A_168 = tpu.vector_load %arg15[%get3A_166, %get3A_167] {strides = array<i32>} : memref<40x128xf32, #tpu.memory_space<vmem>>, vector<1x16xf32>,
        %get3A_169 = vector.shape_cast %get3A_168 : vector<1x16xf32> to vector<16xf32>
        %add3A_170 = arith.addf %mul3A_165, %get3A_169 : vector<16xf32>
        %swap3A = arith.index_cast %scan3A_157 : i32 to index
        %swap3A_171 = arith.constant 0 : index
        %swap3A_172 = tpu.vector_load %arg13[%swap3A, %swap3A_171] {strides = array<i32>} : memref<40x128xf32, #tpu.memory_space<vmem>>, vector<1x16xf32>,
        %swap3A_173 = vector.shape_cast %swap3A_172 : vector<1x16xf32> to vector<16xf32>
        %swap3A_174 = vector.shape_cast %add3A_170 : vector<16xf32> to vector<1x16xf32>
        tpu.vector_store %arg13[%swap3A, %swap3A_171], %swap3A_174 {strides = array<i32>} : memref<40x128xf32, #tpu.memory_space<vmem>>, vector<1x16xf32>,
        %get3A_175 = arith.index_cast %scan3A_157 : i32 to index
        %get3A_176 = arith.constant 16 : index
        %get3A_177 = tpu.vector_load %arg13[%get3A_175, %get3A_176] {strides = array<i32>} : memref<40x128xf32, #tpu.memory_space<vmem>>, vector<1x16xf32>,
        %get3A_178 = vector.shape_cast %get3A_177 : vector<1x16xf32> to vector<16xf32>
        %get3A_179 = arith.index_cast %scan3A_157 : i32 to index
        %get3A_180 = arith.constant 16 : index
        %get3A_181 = tpu.vector_load %arg14[%get3A_179, %get3A_180] {strides = array<i32>} : memref<40x128xf32, #tpu.memory_space<vmem>>, vector<1x16xf32>,
        %get3A_182 = vector.shape_cast %get3A_181 : vector<1x16xf32> to vector<16xf32>
        %mul3A_183 = arith.mulf %get3A_178, %get3A_182 : vector<16xf32>
        %get3A_184 = arith.index_cast %scan3A_157 : i32 to index
        %get3A_185 = arith.constant 16 : index
        %get3A_186 = tpu.vector_load %arg15[%get3A_184, %get3A_185] {strides = array<i32>} : memref<40x128xf32, #tpu.memory_space<vmem>>, vector<1x16xf32>,
        %get3A_187 = vector.shape_cast %get3A_186 : vector<1x16xf32> to vector<16xf32>
        %add3A_188 = arith.addf %mul3A_183, %get3A_187 : vector<16xf32>
        %swap3A_189 = arith.index_cast %scan3A_157 : i32 to index
        %swap3A_190 = arith.constant 16 : index
        %swap3A_191 = tpu.vector_load %arg13[%swap3A_189, %swap3A_190] {strides = array<i32>} : memref<40x128xf32, #tpu.memory_space<vmem>>, vector<1x16xf32>,
        %swap3A_192 = vector.shape_cast %swap3A_191 : vector<1x16xf32> to vector<16xf32>
        %swap3A_193 = vector.shape_cast %add3A_188 : vector<16xf32> to vector<1x16xf32>
        tpu.vector_store %arg13[%swap3A_189, %swap3A_190], %swap3A_193 {strides = array<i32>} : memref<40x128xf32, #tpu.memory_space<vmem>>, vector<1x16xf32>,
        %get3A_194 = arith.index_cast %scan3A_157 : i32 to index
        %get3A_195 = arith.constant 32 : index
        %get3A_196 = tpu.vector_load %arg13[%get3A_194, %get3A_195] {strides = array<i32>} : memref<40x128xf32, #tpu.memory_space<vmem>>, vector<1x16xf32>,
        %get3A_197 = vector.shape_cast %get3A_196 : vector<1x16xf32> to vector<16xf32>
        %get3A_198 = arith.index_cast %scan3A_157 : i32 to index
        %get3A_199 = arith.constant 32 : index
        %get3A_200 = tpu.vector_load %arg14[%get3A_198, %get3A_199] {strides = array<i32>} : memref<40x128xf32, #tpu.memory_space<vmem>>, vector<1x16xf32>,
        %get3A_201 = vector.shape_cast %get3A_200 : vector<1x16xf32> to vector<16xf32>
        %mul3A_202 = arith.mulf %get3A_197, %get3A_201 : vector<16xf32>
        %get3A_203 = arith.index_cast %scan3A_157 : i32 to index
        %get3A_204 = arith.constant 32 : index
        %get3A_205 = tpu.vector_load %arg15[%get3A_203, %get3A_204] {strides = array<i32>} : memref<40x128xf32, #tpu.memory_space<vmem>>, vector<1x16xf32>,
        %get3A_206 = vector.shape_cast %get3A_205 : vector<1x16xf32> to vector<16xf32>
        %add3A_207 = arith.addf %mul3A_202, %get3A_206 : vector<16xf32>
        %swap3A_208 = arith.index_cast %scan3A_157 : i32 to index
        %swap3A_209 = arith.constant 32 : index
        %swap3A_210 = tpu.vector_load %arg13[%swap3A_208, %swap3A_209] {strides = array<i32>} : memref<40x128xf32, #tpu.memory_space<vmem>>, vector<1x16xf32>,
        %swap3A_211 = vector.shape_cast %swap3A_210 : vector<1x16xf32> to vector<16xf32>
        %swap3A_212 = vector.shape_cast %add3A_207 : vector<16xf32> to vector<1x16xf32>
        tpu.vector_store %arg13[%swap3A_208, %swap3A_209], %swap3A_212 {strides = array<i32>} : memref<40x128xf32, #tpu.memory_space<vmem>>, vector<1x16xf32>,
        %get3A_213 = arith.index_cast %scan3A_157 : i32 to index
        %get3A_214 = arith.constant 48 : index
        %get3A_215 = tpu.vector_load %arg13[%get3A_213, %get3A_214] {strides = array<i32>} : memref<40x128xf32, #tpu.memory_space<vmem>>, vector<1x16xf32>,
        %get3A_216 = vector.shape_cast %get3A_215 : vector<1x16xf32> to vector<16xf32>
        %get3A_217 = arith.index_cast %scan3A_157 : i32 to index
        %get3A_218 = arith.constant 48 : index
        %get3A_219 = tpu.vector_load %arg14[%get3A_217, %get3A_218] {strides = array<i32>} : memref<40x128xf32, #tpu.memory_space<vmem>>, vector<1x16xf32>,
        %get3A_220 = vector.shape_cast %get3A_219 : vector<1x16xf32> to vector<16xf32>
        %mul3A_221 = arith.mulf %get3A_216, %get3A_220 : vector<16xf32>
        %get3A_222 = arith.index_cast %scan3A_157 : i32 to index
        %get3A_223 = arith.constant 48 : index
        %get3A_224 = tpu.vector_load %arg15[%get3A_222, %get3A_223] {strides = array<i32>} : memref<40x128xf32, #tpu.memory_space<vmem>>, vector<1x16xf32>,
        %get3A_225 = vector.shape_cast %get3A_224 : vector<1x16xf32> to vector<16xf32>
        %add3A_226 = arith.addf %mul3A_221, %get3A_225 : vector<16xf32>
        %swap3A_227 = arith.index_cast %scan3A_157 : i32 to index
        %swap3A_228 = arith.constant 48 : index
        %swap3A_229 = tpu.vector_load %arg13[%swap3A_227, %swap3A_228] {strides = array<i32>} : memref<40x128xf32, #tpu.memory_space<vmem>>, vector<1x16xf32>,
        %swap3A_230 = vector.shape_cast %swap3A_229 : vector<1x16xf32> to vector<16xf32>
        %swap3A_231 = vector.shape_cast %add3A_226 : vector<16xf32> to vector<1x16xf32>
        tpu.vector_store %arg13[%swap3A_227, %swap3A_228], %swap3A_231 {strides = array<i32>} : memref<40x128xf32, #tpu.memory_space<vmem>>, vector<1x16xf32>,
        %get3A_232 = arith.index_cast %scan3A_157 : i32 to index
        %get3A_233 = arith.constant 64 : index
        %get3A_234 = tpu.vector_load %arg13[%get3A_232, %get3A_233] {strides = array<i32>} : memref<40x128xf32, #tpu.memory_space<vmem>>, vector<1x16xf32>,
        %get3A_235 = vector.shape_cast %get3A_234 : vector<1x16xf32> to vector<16xf32>
        %get3A_236 = arith.index_cast %scan3A_157 : i32 to index
        %get3A_237 = arith.constant 64 : index
        %get3A_238 = tpu.vector_load %arg14[%get3A_236, %get3A_237] {strides = array<i32>} : memref<40x128xf32, #tpu.memory_space<vmem>>, vector<1x16xf32>,
        %get3A_239 = vector.shape_cast %get3A_238 : vector<1x16xf32> to vector<16xf32>
        %mul3A_240 = arith.mulf %get3A_235, %get3A_239 : vector<16xf32>
        %get3A_241 = arith.index_cast %scan3A_157 : i32 to index
        %get3A_242 = arith.constant 64 : index
        %get3A_243 = tpu.vector_load %arg15[%get3A_241, %get3A_242] {strides = array<i32>} : memref<40x128xf32, #tpu.memory_space<vmem>>, vector<1x16xf32>,
        %get3A_244 = vector.shape_cast %get3A_243 : vector<1x16xf32> to vector<16xf32>
        %add3A_245 = arith.addf %mul3A_240, %get3A_244 : vector<16xf32>
        %swap3A_246 = arith.index_cast %scan3A_157 : i32 to index
        %swap3A_247 = arith.constant 64 : index
        %swap3A_248 = tpu.vector_load %arg13[%swap3A_246, %swap3A_247] {strides = array<i32>} : memref<40x128xf32, #tpu.memory_space<vmem>>, vector<1x16xf32>,
        %swap3A_249 = vector.shape_cast %swap3A_248 : vector<1x16xf32> to vector<16xf32>
        %swap3A_250 = vector.shape_cast %add3A_245 : vector<16xf32> to vector<1x16xf32>
        tpu.vector_store %arg13[%swap3A_246, %swap3A_247], %swap3A_250 {strides = array<i32>} : memref<40x128xf32, #tpu.memory_space<vmem>>, vector<1x16xf32>,
        %get3A_251 = arith.index_cast %scan3A_157 : i32 to index
        %get3A_252 = arith.constant 80 : index
        %get3A_253 = tpu.vector_load %arg13[%get3A_251, %get3A_252] {strides = array<i32>} : memref<40x128xf32, #tpu.memory_space<vmem>>, vector<1x16xf32>,
        %get3A_254 = vector.shape_cast %get3A_253 : vector<1x16xf32> to vector<16xf32>
        %get3A_255 = arith.index_cast %scan3A_157 : i32 to index
        %get3A_256 = arith.constant 80 : index
        %get3A_257 = tpu.vector_load %arg14[%get3A_255, %get3A_256] {strides = array<i32>} : memref<40x128xf32, #tpu.memory_space<vmem>>, vector<1x16xf32>,
        %get3A_258 = vector.shape_cast %get3A_257 : vector<1x16xf32> to vector<16xf32>
        %mul3A_259 = arith.mulf %get3A_254, %get3A_258 : vector<16xf32>
        %get3A_260 = arith.index_cast %scan3A_157 : i32 to index
        %get3A_261 = arith.constant 80 : index
        %get3A_262 = tpu.vector_load %arg15[%get3A_260, %get3A_261] {strides = array<i32>} : memref<40x128xf32, #tpu.memory_space<vmem>>, vector<1x16xf32>,
        %get3A_263 = vector.shape_cast %get3A_262 : vector<1x16xf32> to vector<16xf32>
        %add3A_264 = arith.addf %mul3A_259, %get3A_263 : vector<16xf32>
        %swap3A_265 = arith.index_cast %scan3A_157 : i32 to index
        %swap3A_266 = arith.constant 80 : index
        %swap3A_267 = tpu.vector_load %arg13[%swap3A_265, %swap3A_266] {strides = array<i32>} : memref<40x128xf32, #tpu.memory_space<vmem>>, vector<1x16xf32>,
        %swap3A_268 = vector.shape_cast %swap3A_267 : vector<1x16xf32> to vector<16xf32>
        %swap3A_269 = vector.shape_cast %add3A_264 : vector<16xf32> to vector<1x16xf32>
        tpu.vector_store %arg13[%swap3A_265, %swap3A_266], %swap3A_269 {strides = array<i32>} : memref<40x128xf32, #tpu.memory_space<vmem>>, vector<1x16xf32>,
        %get3A_270 = arith.index_cast %scan3A_157 : i32 to index
        %get3A_271 = arith.constant 96 : index
        %get3A_272 = tpu.vector_load %arg13[%get3A_270, %get3A_271] {strides = array<i32>} : memref<40x128xf32, #tpu.memory_space<vmem>>, vector<1x16xf32>,
        %get3A_273 = vector.shape_cast %get3A_272 : vector<1x16xf32> to vector<16xf32>
        %get3A_274 = arith.index_cast %scan3A_157 : i32 to index
        %get3A_275 = arith.constant 96 : index
        %get3A_276 = tpu.vector_load %arg14[%get3A_274, %get3A_275] {strides = array<i32>} : memref<40x128xf32, #tpu.memory_space<vmem>>, vector<1x16xf32>,
        %get3A_277 = vector.shape_cast %get3A_276 : vector<1x16xf32> to vector<16xf32>
        %mul3A_278 = arith.mulf %get3A_273, %get3A_277 : vector<16xf32>
        %get3A_279 = arith.index_cast %scan3A_157 : i32 to index
        %get3A_280 = arith.constant 96 : index
        %get3A_281 = tpu.vector_load %arg15[%get3A_279, %get3A_280] {strides = array<i32>} : memref<40x128xf32, #tpu.memory_space<vmem>>, vector<1x16xf32>,
        %get3A_282 = vector.shape_cast %get3A_281 : vector<1x16xf32> to vector<16xf32>
        %add3A_283 = arith.addf %mul3A_278, %get3A_282 : vector<16xf32>
        %swap3A_284 = arith.index_cast %scan3A_157 : i32 to index
        %swap3A_285 = arith.constant 96 : index
        %swap3A_286 = tpu.vector_load %arg13[%swap3A_284, %swap3A_285] {strides = array<i32>} : memref<40x128xf32, #tpu.memory_space<vmem>>, vector<1x16xf32>,
        %swap3A_287 = vector.shape_cast %swap3A_286 : vector<1x16xf32> to vector<16xf32>
        %swap3A_288 = vector.shape_cast %add3A_283 : vector<16xf32> to vector<1x16xf32>
        tpu.vector_store %arg13[%swap3A_284, %swap3A_285], %swap3A_288 {strides = array<i32>} : memref<40x128xf32, #tpu.memory_space<vmem>>, vector<1x16xf32>,
        %get3A_289 = arith.index_cast %scan3A_157 : i32 to index
        %get3A_290 = arith.constant 112 : index
        %get3A_291 = tpu.vector_load %arg13[%get3A_289, %get3A_290] {strides = array<i32>} : memref<40x128xf32, #tpu.memory_space<vmem>>, vector<1x16xf32>,
        %get3A_292 = vector.shape_cast %get3A_291 : vector<1x16xf32> to vector<16xf32>
        %get3A_293 = arith.index_cast %scan3A_157 : i32 to index
        %get3A_294 = arith.constant 112 : index
        %get3A_295 = tpu.vector_load %arg14[%get3A_293, %get3A_294] {strides = array<i32>} : memref<40x128xf32, #tpu.memory_space<vmem>>, vector<1x16xf32>,
        %get3A_296 = vector.shape_cast %get3A_295 : vector<1x16xf32> to vector<16xf32>
        %mul3A_297 = arith.mulf %get3A_292, %get3A_296 : vector<16xf32>
        %get3A_298 = arith.index_cast %scan3A_157 : i32 to index
        %get3A_299 = arith.constant 112 : index
        %get3A_300 = tpu.vector_load %arg15[%get3A_298, %get3A_299] {strides = array<i32>} : memref<40x128xf32, #tpu.memory_space<vmem>>, vector<1x16xf32>,
        %get3A_301 = vector.shape_cast %get3A_300 : vector<1x16xf32> to vector<16xf32>
        %add3A_302 = arith.addf %mul3A_297, %get3A_301 : vector<16xf32>
        %swap3A_303 = arith.index_cast %scan3A_157 : i32 to index
        %swap3A_304 = arith.constant 112 : index
        %swap3A_305 = tpu.vector_load %arg13[%swap3A_303, %swap3A_304] {strides = array<i32>} : memref<40x128xf32, #tpu.memory_space<vmem>>, vector<1x16xf32>,
        %swap3A_306 = vector.shape_cast %swap3A_305 : vector<1x16xf32> to vector<16xf32>
        %swap3A_307 = vector.shape_cast %add3A_302 : vector<16xf32> to vector<1x16xf32>
        tpu.vector_store %arg13[%swap3A_303, %swap3A_304], %swap3A_307 {strides = array<i32>} : memref<40x128xf32, #tpu.memory_space<vmem>>, vector<1x16xf32>,
        %scan3A_308 = arith.constant 1 : i32
        %scan3A_309 = arith.addi %scan3A_157, %scan3A_308 : i32
        %get3A_310 = arith.index_cast %scan3A_309 : i32 to index
        %get3A_311 = arith.constant 0 : index
        %get3A_312 = tpu.vector_load %arg13[%get3A_310, %get3A_311] {strides = array<i32>} : memref<40x128xf32, #tpu.memory_space<vmem>>, vector<1x16xf32>,
        %get3A_313 = vector.shape_cast %get3A_312 : vector<1x16xf32> to vector<16xf32>
        %get3A_314 = arith.index_cast %scan3A_309 : i32 to index
        %get3A_315 = arith.constant 0 : index
        %get3A_316 = tpu.vector_load %arg14[%get3A_314, %get3A_315] {strides = array<i32>} : memref<40x128xf32, #tpu.memory_space<vmem>>, vector<1x16xf32>,
        %get3A_317 = vector.shape_cast %get3A_316 : vector<1x16xf32> to vector<16xf32>
        %mul3A_318 = arith.mulf %get3A_313, %get3A_317 : vector<16xf32>
        %get3A_319 = arith.index_cast %scan3A_309 : i32 to index
        %get3A_320 = arith.constant 0 : index
        %get3A_321 = tpu.vector_load %arg15[%get3A_319, %get3A_320] {strides = array<i32>} : memref<40x128xf32, #tpu.memory_space<vmem>>, vector<1x16xf32>,
        %get3A_322 = vector.shape_cast %get3A_321 : vector<1x16xf32> to vector<16xf32>
        %add3A_323 = arith.addf %mul3A_318, %get3A_322 : vector<16xf32>
        %swap3A_324 = arith.index_cast %scan3A_309 : i32 to index
        %swap3A_325 = arith.constant 0 : index
        %swap3A_326 = tpu.vector_load %arg13[%swap3A_324, %swap3A_325] {strides = array<i32>} : memref<40x128xf32, #tpu.memory_space<vmem>>, vector<1x16xf32>,
        %swap3A_327 = vector.shape_cast %swap3A_326 : vector<1x16xf32> to vector<16xf32>
        %swap3A_328 = vector.shape_cast %add3A_323 : vector<16xf32> to vector<1x16xf32>
        tpu.vector_store %arg13[%swap3A_324, %swap3A_325], %swap3A_328 {strides = array<i32>} : memref<40x128xf32, #tpu.memory_space<vmem>>, vector<1x16xf32>,
        %get3A_329 = arith.index_cast %scan3A_309 : i32 to index
        %get3A_330 = arith.constant 16 : index
        %get3A_331 = tpu.vector_load %arg13[%get3A_329, %get3A_330] {strides = array<i32>} : memref<40x128xf32, #tpu.memory_space<vmem>>, vector<1x16xf32>,
        %get3A_332 = vector.shape_cast %get3A_331 : vector<1x16xf32> to vector<16xf32>
        %get3A_333 = arith.index_cast %scan3A_309 : i32 to index
        %get3A_334 = arith.constant 16 : index
        %get3A_335 = tpu.vector_load %arg14[%get3A_333, %get3A_334] {strides = array<i32>} : memref<40x128xf32, #tpu.memory_space<vmem>>, vector<1x16xf32>,
        %get3A_336 = vector.shape_cast %get3A_335 : vector<1x16xf32> to vector<16xf32>
        %mul3A_337 = arith.mulf %get3A_332, %get3A_336 : vector<16xf32>
        %get3A_338 = arith.index_cast %scan3A_309 : i32 to index
        %get3A_339 = arith.constant 16 : index
        %get3A_340 = tpu.vector_load %arg15[%get3A_338, %get3A_339] {strides = array<i32>} : memref<40x128xf32, #tpu.memory_space<vmem>>, vector<1x16xf32>,
        %get3A_341 = vector.shape_cast %get3A_340 : vector<1x16xf32> to vector<16xf32>
        %add3A_342 = arith.addf %mul3A_337, %get3A_341 : vector<16xf32>
        %swap3A_343 = arith.index_cast %scan3A_309 : i32 to index
        %swap3A_344 = arith.constant 16 : index
        %swap3A_345 = tpu.vector_load %arg13[%swap3A_343, %swap3A_344] {strides = array<i32>} : memref<40x128xf32, #tpu.memory_space<vmem>>, vector<1x16xf32>,
        %swap3A_346 = vector.shape_cast %swap3A_345 : vector<1x16xf32> to vector<16xf32>
        %swap3A_347 = vector.shape_cast %add3A_342 : vector<16xf32> to vector<1x16xf32>
        tpu.vector_store %arg13[%swap3A_343, %swap3A_344], %swap3A_347 {strides = array<i32>} : memref<40x128xf32, #tpu.memory_space<vmem>>, vector<1x16xf32>,
        %get3A_348 = arith.index_cast %scan3A_309 : i32 to index
        %get3A_349 = arith.constant 32 : index
        %get3A_350 = tpu.vector_load %arg13[%get3A_348, %get3A_349] {strides = array<i32>} : memref<40x128xf32, #tpu.memory_space<vmem>>, vector<1x16xf32>,
        %get3A_351 = vector.shape_cast %get3A_350 : vector<1x16xf32> to vector<16xf32>
        %get3A_352 = arith.index_cast %scan3A_309 : i32 to index
        %get3A_353 = arith.constant 32 : index
        %get3A_354 = tpu.vector_load %arg14[%get3A_352, %get3A_353] {strides = array<i32>} : memref<40x128xf32, #tpu.memory_space<vmem>>, vector<1x16xf32>,
        %get3A_355 = vector.shape_cast %get3A_354 : vector<1x16xf32> to vector<16xf32>
        %mul3A_356 = arith.mulf %get3A_351, %get3A_355 : vector<16xf32>
        %get3A_357 = arith.index_cast %scan3A_309 : i32 to index
        %get3A_358 = arith.constant 32 : index
        %get3A_359 = tpu.vector_load %arg15[%get3A_357, %get3A_358] {strides = array<i32>} : memref<40x128xf32, #tpu.memory_space<vmem>>, vector<1x16xf32>,
        %get3A_360 = vector.shape_cast %get3A_359 : vector<1x16xf32> to vector<16xf32>
        %add3A_361 = arith.addf %mul3A_356, %get3A_360 : vector<16xf32>
        %swap3A_362 = arith.index_cast %scan3A_309 : i32 to index
        %swap3A_363 = arith.constant 32 : index
        %swap3A_364 = tpu.vector_load %arg13[%swap3A_362, %swap3A_363] {strides = array<i32>} : memref<40x128xf32, #tpu.memory_space<vmem>>, vector<1x16xf32>,
        %swap3A_365 = vector.shape_cast %swap3A_364 : vector<1x16xf32> to vector<16xf32>
        %swap3A_366 = vector.shape_cast %add3A_361 : vector<16xf32> to vector<1x16xf32>
        tpu.vector_store %arg13[%swap3A_362, %swap3A_363], %swap3A_366 {strides = array<i32>} : memref<40x128xf32, #tpu.memory_space<vmem>>, vector<1x16xf32>,
        %get3A_367 = arith.index_cast %scan3A_309 : i32 to index
        %get3A_368 = arith.constant 48 : index
        %get3A_369 = tpu.vector_load %arg13[%get3A_367, %get3A_368] {strides = array<i32>} : memref<40x128xf32, #tpu.memory_space<vmem>>, vector<1x16xf32>,
        %get3A_370 = vector.shape_cast %get3A_369 : vector<1x16xf32> to vector<16xf32>
        %get3A_371 = arith.index_cast %scan3A_309 : i32 to index
        %get3A_372 = arith.constant 48 : index
        %get3A_373 = tpu.vector_load %arg14[%get3A_371, %get3A_372] {strides = array<i32>} : memref<40x128xf32, #tpu.memory_space<vmem>>, vector<1x16xf32>,
        %get3A_374 = vector.shape_cast %get3A_373 : vector<1x16xf32> to vector<16xf32>
        %mul3A_375 = arith.mulf %get3A_370, %get3A_374 : vector<16xf32>
        %get3A_376 = arith.index_cast %scan3A_309 : i32 to index
        %get3A_377 = arith.constant 48 : index
        %get3A_378 = tpu.vector_load %arg15[%get3A_376, %get3A_377] {strides = array<i32>} : memref<40x128xf32, #tpu.memory_space<vmem>>, vector<1x16xf32>,
        %get3A_379 = vector.shape_cast %get3A_378 : vector<1x16xf32> to vector<16xf32>
        %add3A_380 = arith.addf %mul3A_375, %get3A_379 : vector<16xf32>
        %swap3A_381 = arith.index_cast %scan3A_309 : i32 to index
        %swap3A_382 = arith.constant 48 : index
        %swap3A_383 = tpu.vector_load %arg13[%swap3A_381, %swap3A_382] {strides = array<i32>} : memref<40x128xf32, #tpu.memory_space<vmem>>, vector<1x16xf32>,
        %swap3A_384 = vector.shape_cast %swap3A_383 : vector<1x16xf32> to vector<16xf32>
        %swap3A_385 = vector.shape_cast %add3A_380 : vector<16xf32> to vector<1x16xf32>
        tpu.vector_store %arg13[%swap3A_381, %swap3A_382], %swap3A_385 {strides = array<i32>} : memref<40x128xf32, #tpu.memory_space<vmem>>, vector<1x16xf32>,
        %get3A_386 = arith.index_cast %scan3A_309 : i32 to index
        %get3A_387 = arith.constant 64 : index
        %get3A_388 = tpu.vector_load %arg13[%get3A_386, %get3A_387] {strides = array<i32>} : memref<40x128xf32, #tpu.memory_space<vmem>>, vector<1x16xf32>,
        %get3A_389 = vector.shape_cast %get3A_388 : vector<1x16xf32> to vector<16xf32>
        %get3A_390 = arith.index_cast %scan3A_309 : i32 to index
        %get3A_391 = arith.constant 64 : index
        %get3A_392 = tpu.vector_load %arg14[%get3A_390, %get3A_391] {strides = array<i32>} : memref<40x128xf32, #tpu.memory_space<vmem>>, vector<1x16xf32>,
        %get3A_393 = vector.shape_cast %get3A_392 : vector<1x16xf32> to vector<16xf32>
        %mul3A_394 = arith.mulf %get3A_389, %get3A_393 : vector<16xf32>
        %get3A_395 = arith.index_cast %scan3A_309 : i32 to index
        %get3A_396 = arith.constant 64 : index
        %get3A_397 = tpu.vector_load %arg15[%get3A_395, %get3A_396] {strides = array<i32>} : memref<40x128xf32, #tpu.memory_space<vmem>>, vector<1x16xf32>,
        %get3A_398 = vector.shape_cast %get3A_397 : vector<1x16xf32> to vector<16xf32>
        %add3A_399 = arith.addf %mul3A_394, %get3A_398 : vector<16xf32>
        %swap3A_400 = arith.index_cast %scan3A_309 : i32 to index
        %swap3A_401 = arith.constant 64 : index
        %swap3A_402 = tpu.vector_load %arg13[%swap3A_400, %swap3A_401] {strides = array<i32>} : memref<40x128xf32, #tpu.memory_space<vmem>>, vector<1x16xf32>,
        %swap3A_403 = vector.shape_cast %swap3A_402 : vector<1x16xf32> to vector<16xf32>
        %swap3A_404 = vector.shape_cast %add3A_399 : vector<16xf32> to vector<1x16xf32>
        tpu.vector_store %arg13[%swap3A_400, %swap3A_401], %swap3A_404 {strides = array<i32>} : memref<40x128xf32, #tpu.memory_space<vmem>>, vector<1x16xf32>,
        %get3A_405 = arith.index_cast %scan3A_309 : i32 to index
        %get3A_406 = arith.constant 80 : index
        %get3A_407 = tpu.vector_load %arg13[%get3A_405, %get3A_406] {strides = array<i32>} : memref<40x128xf32, #tpu.memory_space<vmem>>, vector<1x16xf32>,
        %get3A_408 = vector.shape_cast %get3A_407 : vector<1x16xf32> to vector<16xf32>
        %get3A_409 = arith.index_cast %scan3A_309 : i32 to index
        %get3A_410 = arith.constant 80 : index
        %get3A_411 = tpu.vector_load %arg14[%get3A_409, %get3A_410] {strides = array<i32>} : memref<40x128xf32, #tpu.memory_space<vmem>>, vector<1x16xf32>,
        %get3A_412 = vector.shape_cast %get3A_411 : vector<1x16xf32> to vector<16xf32>
        %mul3A_413 = arith.mulf %get3A_408, %get3A_412 : vector<16xf32>
        %get3A_414 = arith.index_cast %scan3A_309 : i32 to index
        %get3A_415 = arith.constant 80 : index
        %get3A_416 = tpu.vector_load %arg15[%get3A_414, %get3A_415] {strides = array<i32>} : memref<40x128xf32, #tpu.memory_space<vmem>>, vector<1x16xf32>,
        %get3A_417 = vector.shape_cast %get3A_416 : vector<1x16xf32> to vector<16xf32>
        %add3A_418 = arith.addf %mul3A_413, %get3A_417 : vector<16xf32>
        %swap3A_419 = arith.index_cast %scan3A_309 : i32 to index
        %swap3A_420 = arith.constant 80 : index
        %swap3A_421 = tpu.vector_load %arg13[%swap3A_419, %swap3A_420] {strides = array<i32>} : memref<40x128xf32, #tpu.memory_space<vmem>>, vector<1x16xf32>,
        %swap3A_422 = vector.shape_cast %swap3A_421 : vector<1x16xf32> to vector<16xf32>
        %swap3A_423 = vector.shape_cast %add3A_418 : vector<16xf32> to vector<1x16xf32>
        tpu.vector_store %arg13[%swap3A_419, %swap3A_420], %swap3A_423 {strides = array<i32>} : memref<40x128xf32, #tpu.memory_space<vmem>>, vector<1x16xf32>,
        %get3A_424 = arith.index_cast %scan3A_309 : i32 to index
        %get3A_425 = arith.constant 96 : index
        %get3A_426 = tpu.vector_load %arg13[%get3A_424, %get3A_425] {strides = array<i32>} : memref<40x128xf32, #tpu.memory_space<vmem>>, vector<1x16xf32>,
        %get3A_427 = vector.shape_cast %get3A_426 : vector<1x16xf32> to vector<16xf32>
        %get3A_428 = arith.index_cast %scan3A_309 : i32 to index
        %get3A_429 = arith.constant 96 : index
        %get3A_430 = tpu.vector_load %arg14[%get3A_428, %get3A_429] {strides = array<i32>} : memref<40x128xf32, #tpu.memory_space<vmem>>, vector<1x16xf32>,
        %get3A_431 = vector.shape_cast %get3A_430 : vector<1x16xf32> to vector<16xf32>
        %mul3A_432 = arith.mulf %get3A_427, %get3A_431 : vector<16xf32>
        %get3A_433 = arith.index_cast %scan3A_309 : i32 to index
        %get3A_434 = arith.constant 96 : index
        %get3A_435 = tpu.vector_load %arg15[%get3A_433, %get3A_434] {strides = array<i32>} : memref<40x128xf32, #tpu.memory_space<vmem>>, vector<1x16xf32>,
        %get3A_436 = vector.shape_cast %get3A_435 : vector<1x16xf32> to vector<16xf32>
        %add3A_437 = arith.addf %mul3A_432, %get3A_436 : vector<16xf32>
        %swap3A_438 = arith.index_cast %scan3A_309 : i32 to index
        %swap3A_439 = arith.constant 96 : index
        %swap3A_440 = tpu.vector_load %arg13[%swap3A_438, %swap3A_439] {strides = array<i32>} : memref<40x128xf32, #tpu.memory_space<vmem>>, vector<1x16xf32>,
        %swap3A_441 = vector.shape_cast %swap3A_440 : vector<1x16xf32> to vector<16xf32>
        %swap3A_442 = vector.shape_cast %add3A_437 : vector<16xf32> to vector<1x16xf32>
        tpu.vector_store %arg13[%swap3A_438, %swap3A_439], %swap3A_442 {strides = array<i32>} : memref<40x128xf32, #tpu.memory_space<vmem>>, vector<1x16xf32>,
        %get3A_443 = arith.index_cast %scan3A_309 : i32 to index
        %get3A_444 = arith.constant 112 : index
        %get3A_445 = tpu.vector_load %arg13[%get3A_443, %get3A_444] {strides = array<i32>} : memref<40x128xf32, #tpu.memory_space<vmem>>, vector<1x16xf32>,
        %get3A_446 = vector.shape_cast %get3A_445 : vector<1x16xf32> to vector<16xf32>
        %get3A_447 = arith.index_cast %scan3A_309 : i32 to index
        %get3A_448 = arith.constant 112 : index
        %get3A_449 = tpu.vector_load %arg14[%get3A_447, %get3A_448] {strides = array<i32>} : memref<40x128xf32, #tpu.memory_space<vmem>>, vector<1x16xf32>,
        %get3A_450 = vector.shape_cast %get3A_449 : vector<1x16xf32> to vector<16xf32>
        %mul3A_451 = arith.mulf %get3A_446, %get3A_450 : vector<16xf32>
        %get3A_452 = arith.index_cast %scan3A_309 : i32 to index
        %get3A_453 = arith.constant 112 : index
        %get3A_454 = tpu.vector_load %arg15[%get3A_452, %get3A_453] {strides = array<i32>} : memref<40x128xf32, #tpu.memory_space<vmem>>, vector<1x16xf32>,
        %get3A_455 = vector.shape_cast %get3A_454 : vector<1x16xf32> to vector<16xf32>
        %add3A_456 = arith.addf %mul3A_451, %get3A_455 : vector<16xf32>
        %swap3A_457 = arith.index_cast %scan3A_309 : i32 to index
        %swap3A_458 = arith.constant 112 : index
        %swap3A_459 = tpu.vector_load %arg13[%swap3A_457, %swap3A_458] {strides = array<i32>} : memref<40x128xf32, #tpu.memory_space<vmem>>, vector<1x16xf32>,
        %swap3A_460 = vector.shape_cast %swap3A_459 : vector<1x16xf32> to vector<16xf32>
        %swap3A_461 = vector.shape_cast %add3A_456 : vector<16xf32> to vector<1x16xf32>
        tpu.vector_store %arg13[%swap3A_457, %swap3A_458], %swap3A_461 {strides = array<i32>} : memref<40x128xf32, #tpu.memory_space<vmem>>, vector<1x16xf32>,
      }
      %scan3A_156 = arith.constant 40 : i32
      "tpu.region"() ({
        %run_scoped3A = tpu.sem_alloc : memref<!tpu.dma_semaphore, #tpu.memory_space<semaphore_mem>>
        %dma_start3A_157 = arith.constant 40 : i32
        %dma_start3A_158 = tpu.memref_slice %arg9[%dma_start3A_157] : memref<80xi32, #tpu.memory_space<vmem>> -> memref<40xi32, #tpu.memory_space<vmem>>
        %dma_start3A_159 = arith.constant 0 : i32
        %dma_start3A_160 = arith.constant 0 : i32
        %dma_start3A_161 = tpu.memref_slice %arg16[%dma_start3A_159, %dma_start3A_160] : memref<10240x128xf32, #tpu.memory_space<vmem_shared>> -> memref<10240x128xf32, #tpu.memory_space<vmem_shared>>
        tpu.enqueue_indirect_dma source(%arg13 : memref<40x128xf32, #tpu.memory_space<vmem>>) target(%dma_start3A_161 : memref<10240x128xf32, #tpu.memory_space<vmem_shared>>) offsets(%dma_start3A_158 : memref<40xi32, #tpu.memory_space<vmem>>) semaphore(%run_scoped3A : memref<!tpu.dma_semaphore, #tpu.memory_space<semaphore_mem>>) {add = true}
        %dma_wait3A_162 = arith.constant 40 : i32
        %dma_wait3A_163 = tpu.memref_slice %arg9[%dma_wait3A_162] : memref<80xi32, #tpu.memory_space<vmem>> -> memref<40xi32, #tpu.memory_space<vmem>>
        %dma_wait3A_164 = arith.constant 0 : i32
        %dma_wait3A_165 = arith.constant 0 : i32
        %dma_wait3A_166 = tpu.memref_slice %arg16[%dma_wait3A_164, %dma_wait3A_165] : memref<10240x128xf32, #tpu.memory_space<vmem_shared>> -> memref<10240x128xf32, #tpu.memory_space<vmem_shared>>
        tpu.wait_indirect_dma semaphore(%run_scoped3A : memref<!tpu.dma_semaphore, #tpu.memory_space<semaphore_mem>>) src(%arg13 : memref<40x128xf32, #tpu.memory_space<vmem>>) dst(%dma_wait3A_166 : memref<10240x128xf32, #tpu.memory_space<vmem_shared>>)
        tpu.yield
      }) : () -> ()
    }
    %scan3A_31 = arith.constant 125 : i32
    %mul3A_32 = arith.constant 10000 : i32
    %mul3A_33 = arith.muli %add3A, %mul3A_32 : i32
    %add3A_34 = arith.constant 9960 : i32
    %add3A_35 = arith.addi %mul3A_33, %add3A_34 : i32
    %dma_wait3A = arith.constant 0 : i32
    %dma_wait3A_36 = tpu.memref_slice %arg8[%dma_wait3A] : memref<80xi32, #tpu.memory_space<vmem>> -> memref<40xi32, #tpu.memory_space<vmem>>
    %dma_wait3A_37 = arith.constant 0 : i32
    %dma_wait3A_38 = arith.constant 0 : i32
    %dma_wait3A_39 = tpu.memref_slice %arg2[%dma_wait3A_37, %dma_wait3A_38] : memref<10000x128xf32, #tpu.memory_space<hbm>> -> memref<10000x128xf32, #tpu.memory_space<hbm>>
    tpu.wait_indirect_dma semaphore(%arg17 : memref<!tpu.dma_semaphore, #tpu.memory_space<semaphore_mem>>) src(%dma_wait3A_39 : memref<10000x128xf32, #tpu.memory_space<hbm>>) dst(%arg10 : memref<40x128xf32, #tpu.memory_space<vmem>>)
    %dma_wait3A_40 = arith.constant 0 : i32
    %dma_wait3A_41 = tpu.memref_slice %arg3[%add3A_35, %dma_wait3A_40] : memref<320000x128xf32, #tpu.memory_space<hbm>> -> memref<40x128xf32, #tpu.memory_space<hbm>>
    %dma_wait3A_42 = arith.constant 0 : i32
    %dma_wait3A_43 = tpu.memref_slice %arg3[%add3A_35, %dma_wait3A_42] : memref<320000x128xf32, #tpu.memory_space<hbm>> -> memref<40x128xf32, #tpu.memory_space<hbm>>
    tpu.wait_dma2 semaphore(%arg18 : memref<!tpu.dma_semaphore, #tpu.memory_space<semaphore_mem>>) src(%dma_wait3A_43 : memref<40x128xf32, #tpu.memory_space<hbm>>) dst(%arg11 : memref<40x128xf32, #tpu.memory_space<vmem>>)
    %dma_wait3A_44 = arith.constant 0 : i32
    %dma_wait3A_45 = tpu.memref_slice %arg4[%add3A_35, %dma_wait3A_44] : memref<320000x128xf32, #tpu.memory_space<hbm>> -> memref<40x128xf32, #tpu.memory_space<hbm>>
    %dma_wait3A_46 = arith.constant 0 : i32
    %dma_wait3A_47 = tpu.memref_slice %arg4[%add3A_35, %dma_wait3A_46] : memref<320000x128xf32, #tpu.memory_space<hbm>> -> memref<40x128xf32, #tpu.memory_space<hbm>>
    tpu.wait_dma2 semaphore(%arg19 : memref<!tpu.dma_semaphore, #tpu.memory_space<semaphore_mem>>) src(%dma_wait3A_47 : memref<40x128xf32, #tpu.memory_space<hbm>>) dst(%arg12 : memref<40x128xf32, #tpu.memory_space<vmem>>)
    %barrier3A_48 = arith.constant 0 : index
    tpu.barrier barrier_id(%barrier3A_48)
    "tpu.region"() ({
      %run_scoped3A = tpu.sem_alloc : memref<!tpu.dma_semaphore, #tpu.memory_space<semaphore_mem>>
      %dma_start3A_49 = arith.constant 0 : i32
      %dma_start3A_50 = tpu.memref_slice %arg7[%arg0, %mul3A_2, %dma_start3A_49] : memref<2x10240x128xf32, #tpu.memory_space<hbm>> -> memref<1x640x128xf32, #tpu.memory_space<hbm>>
      %dma_start3A_51 = tpu.memref_squeeze %dma_start3A_50 : memref<1x640x128xf32, #tpu.memory_space<hbm>> -> memref<640x128xf32, #tpu.memory_space<hbm>>
      %dma_start3A_52 = arith.constant 0 : i32
      %dma_start3A_53 = tpu.memref_slice %arg16[%mul3A_2, %dma_start3A_52] : memref<10240x128xf32, #tpu.memory_space<vmem_shared>> -> memref<640x128xf32, #tpu.memory_space<vmem_shared>>
      tpu.enqueue_dma source(%dma_start3A_53 : memref<640x128xf32, #tpu.memory_space<vmem_shared>>) target(%dma_start3A_51 : memref<640x128xf32, #tpu.memory_space<hbm>>) target_semaphore(%run_scoped3A : memref<!tpu.dma_semaphore, #tpu.memory_space<semaphore_mem>>)
      %dma_wait3A_54 = arith.constant 0 : i32
      %dma_wait3A_55 = tpu.memref_slice %arg7[%arg0, %mul3A_2, %dma_wait3A_54] : memref<2x10240x128xf32, #tpu.memory_space<hbm>> -> memref<1x640x128xf32, #tpu.memory_space<hbm>>
      %dma_wait3A_56 = tpu.memref_squeeze %dma_wait3A_55 : memref<1x640x128xf32, #tpu.memory_space<hbm>> -> memref<640x128xf32, #tpu.memory_space<hbm>>
      %dma_wait3A_57 = arith.constant 0 : i32
      %dma_wait3A_58 = tpu.memref_slice %arg16[%mul3A_2, %dma_wait3A_57] : memref<10240x128xf32, #tpu.memory_space<vmem_shared>> -> memref<640x128xf32, #tpu.memory_space<vmem_shared>>
      tpu.wait_dma2 semaphore(%run_scoped3A : memref<!tpu.dma_semaphore, #tpu.memory_space<semaphore_mem>>) src(%dma_wait3A_58 : memref<640x128xf32, #tpu.memory_space<vmem_shared>>) dst(%dma_wait3A_56 : memref<640x128xf32, #tpu.memory_space<hbm>>)
      tpu.yield
    }) : () -> ()
    return
  }
}

module attributes {stable_mosaic.version = 14 : i64} {
  func.func @_dense_body(%arg0: i32, %arg1: memref<2000x128xf32, #tpu.memory_space<vmem>>, %arg2: memref<2000x128xf32, #tpu.memory_space<vmem>>, %arg3: memref<128x128xf32, #tpu.memory_space<vmem>>, %arg4: memref<1x128xf32, #tpu.memory_space<vmem>>, %arg5: memref<128x128xf32, #tpu.memory_space<vmem>>, %arg6: memref<1x128xf32, #tpu.memory_space<vmem>>, %arg7: memref<128x128xf32, #tpu.memory_space<vmem>>, %arg8: memref<1x128xf32, #tpu.memory_space<vmem>>, %arg9: memref<2000x128xf32, #tpu.memory_space<vmem>>, %arg10: memref<2000x128xf32, #tpu.memory_space<vmem>>) attributes {dimension_semantics = [#tpu.dimension_semantics<arbitrary>], iteration_bounds = array<i64: 160>, scalar_prefetch = 0 : i64, scratch_operands = 0 : i64, tpu.core_type = #tpu.core_type<tc>, window_params = [{transform_indices = @transform_0, window_bounds = array<i64: 2000, 128>}, {transform_indices = @transform_1, window_bounds = array<i64: 2000, 128>}, {pipeline_mode = #tpu.pipeline_mode<synchronous>, transform_indices = @transform_2, window_bounds = array<i64: 128, 128>}, {pipeline_mode = #tpu.pipeline_mode<synchronous>, transform_indices = @transform_3, window_bounds = array<i64: 1, 128>}, {pipeline_mode = #tpu.pipeline_mode<synchronous>, transform_indices = @transform_4, window_bounds = array<i64: 128, 128>}, {pipeline_mode = #tpu.pipeline_mode<synchronous>, transform_indices = @transform_5, window_bounds = array<i64: 1, 128>}, {pipeline_mode = #tpu.pipeline_mode<synchronous>, transform_indices = @transform_6, window_bounds = array<i64: 128, 128>}, {pipeline_mode = #tpu.pipeline_mode<synchronous>, transform_indices = @transform_7, window_bounds = array<i64: 1, 128>}, {transform_indices = @transform_8, window_bounds = array<i64: 2000, 128>}, {transform_indices = @transform_9, window_bounds = array<i64: 2000, 128>}]} {
    %get3A = arith.constant 0 : index
    %get3A_0 = arith.constant 0 : index
    %get3A_1 = vector.load %arg1[%get3A, %get3A_0] : memref<2000x128xf32, #tpu.memory_space<vmem>>, vector<2000x128xf32>
    %get3A_2 = arith.constant 0 : index
    %get3A_3 = arith.constant 0 : index
    %get3A_4 = vector.load %arg3[%get3A_2, %get3A_3] : memref<128x128xf32, #tpu.memory_space<vmem>>, vector<128x128xf32>
    %dot_general3A = arith.constant dense<0.000000e+00> : vector<2000x128xf32>
    %dot_general3A_5 = tpu.matmul %get3A_1, %get3A_4, %dot_general3A {dimension_numbers = #tpu.dot_dimension_numbers<[1], [0], [0], [1], [0, 0, 1, 1], [], []>, transpose_lhs_hint = false} : vector<2000x128xf32>, vector<128x128xf32>, vector<2000x128xf32> -> vector<2000x128xf32>
    %get3A_6 = arith.constant 0 : index
    %get3A_7 = arith.constant 0 : index
    %get3A_8 = vector.load %arg4[%get3A_6, %get3A_7] : memref<1x128xf32, #tpu.memory_space<vmem>>, vector<1x128xf32>
    %add3A = vector.broadcast %get3A_8 : vector<1x128xf32> to vector<2000x128xf32>
    %add3A_9 = arith.addf %dot_general3A_5, %add3A : vector<2000x128xf32>
    %mul3A = arith.constant 5.000000e-01 : f32
    %mul3A_10 = vector.broadcast %mul3A : f32 to vector<2000x128xf32>
    %mul3A_11 = arith.mulf %mul3A_10, %add3A_9 : vector<2000x128xf32>
    %min3A = arith.constant 1.400000e+01 : f32
    %min3A_12 = vector.broadcast %min3A : f32 to vector<2000x128xf32>
    %min3A_13 = arith.minimumf %mul3A_11, %min3A_12 : vector<2000x128xf32>
    %exp3A = math.exp %min3A_13 : vector<2000x128xf32>
    %log1p3A = math.log1p %exp3A : vector<2000x128xf32>
    %mul3A_14 = arith.constant 2.000000e+00 : f32
    %mul3A_15 = vector.broadcast %mul3A_14 : f32 to vector<2000x128xf32>
    %mul3A_16 = arith.mulf %mul3A_15, %log1p3A : vector<2000x128xf32>
    %gt3A = arith.constant 1.400000e+01 : f32
    %gt3A_17 = vector.broadcast %gt3A : f32 to vector<2000x128xf32>
    %gt3A_18 = arith.cmpf ogt, %mul3A_11, %gt3A_17 : vector<2000x128xf32>
    %select_n3A = arith.select %gt3A_18, %add3A_9, %mul3A_16 : vector<2000x128xi1>, vector<2000x128xf32>
    %get3A_19 = arith.constant 0 : index
    %get3A_20 = arith.constant 0 : index
    %get3A_21 = vector.load %arg5[%get3A_19, %get3A_20] : memref<128x128xf32, #tpu.memory_space<vmem>>, vector<128x128xf32>
    %dot_general3A_22 = arith.constant dense<0.000000e+00> : vector<2000x128xf32>
    %dot_general3A_23 = tpu.matmul %select_n3A, %get3A_21, %dot_general3A_22 {dimension_numbers = #tpu.dot_dimension_numbers<[1], [0], [0], [1], [0, 0, 1, 1], [], []>, transpose_lhs_hint = false} : vector<2000x128xf32>, vector<128x128xf32>, vector<2000x128xf32> -> vector<2000x128xf32>
    %get3A_24 = arith.constant 0 : index
    %get3A_25 = arith.constant 0 : index
    %get3A_26 = vector.load %arg6[%get3A_24, %get3A_25] : memref<1x128xf32, #tpu.memory_space<vmem>>, vector<1x128xf32>
    %add3A_27 = vector.broadcast %get3A_26 : vector<1x128xf32> to vector<2000x128xf32>
    %add3A_28 = arith.addf %dot_general3A_23, %add3A_27 : vector<2000x128xf32>
    %swap3A = arith.constant 0 : index
    %swap3A_29 = arith.constant 0 : index
    %swap3A_30 = vector.load %arg9[%swap3A, %swap3A_29] : memref<2000x128xf32, #tpu.memory_space<vmem>>, vector<2000x128xf32>
    tpu.vector_store %arg9[%swap3A, %swap3A_29], %add3A_28 {strides = array<i32>} : memref<2000x128xf32, #tpu.memory_space<vmem>>, vector<2000x128xf32>,
    %get3A_31 = arith.constant 0 : index
    %get3A_32 = arith.constant 0 : index
    %get3A_33 = vector.load %arg2[%get3A_31, %get3A_32] : memref<2000x128xf32, #tpu.memory_space<vmem>>, vector<2000x128xf32>
    %get3A_34 = arith.constant 0 : index
    %get3A_35 = arith.constant 0 : index
    %get3A_36 = vector.load %arg7[%get3A_34, %get3A_35] : memref<128x128xf32, #tpu.memory_space<vmem>>, vector<128x128xf32>
    %dot_general3A_37 = arith.constant dense<0.000000e+00> : vector<2000x128xf32>
    %dot_general3A_38 = tpu.matmul %get3A_33, %get3A_36, %dot_general3A_37 {dimension_numbers = #tpu.dot_dimension_numbers<[1], [0], [0], [1], [0, 0, 1, 1], [], []>, transpose_lhs_hint = false} : vector<2000x128xf32>, vector<128x128xf32>, vector<2000x128xf32> -> vector<2000x128xf32>
    %get3A_39 = arith.constant 0 : index
    %get3A_40 = arith.constant 0 : index
    %get3A_41 = vector.load %arg8[%get3A_39, %get3A_40] : memref<1x128xf32, #tpu.memory_space<vmem>>, vector<1x128xf32>
    %add3A_42 = vector.broadcast %get3A_41 : vector<1x128xf32> to vector<2000x128xf32>
    %add3A_43 = arith.addf %dot_general3A_38, %add3A_42 : vector<2000x128xf32>
    %swap3A_44 = arith.constant 0 : index
    %swap3A_45 = arith.constant 0 : index
    %swap3A_46 = vector.load %arg10[%swap3A_44, %swap3A_45] : memref<2000x128xf32, #tpu.memory_space<vmem>>, vector<2000x128xf32>
    tpu.vector_store %arg10[%swap3A_44, %swap3A_45], %add3A_43 {strides = array<i32>} : memref<2000x128xf32, #tpu.memory_space<vmem>>, vector<2000x128xf32>,
    return
  }
  func.func @transform_0(%arg0: i32) -> (i32, i32) {
    %c0_i32 = arith.constant 0 : i32
    %c0_i32_0 = arith.constant 0 : i32
    return %arg0, %c0_i32 : i32, i32
  }
  func.func @transform_1(%arg0: i32) -> (i32, i32) {
    %c0_i32 = arith.constant 0 : i32
    %c0_i32_0 = arith.constant 0 : i32
    return %arg0, %c0_i32 : i32, i32
  }
  func.func @transform_2(%arg0: i32) -> (i32, i32) {
    %c0_i32 = arith.constant 0 : i32
    %c0_i32_0 = arith.constant 0 : i32
    %c0_i32_1 = arith.constant 0 : i32
    return %c0_i32, %c0_i32_0 : i32, i32
  }
  func.func @transform_3(%arg0: i32) -> (i32, i32) {
    %c0_i32 = arith.constant 0 : i32
    %c0_i32_0 = arith.constant 0 : i32
    %c0_i32_1 = arith.constant 0 : i32
    return %c0_i32, %c0_i32_0 : i32, i32
  }
  func.func @transform_4(%arg0: i32) -> (i32, i32) {
    %c0_i32 = arith.constant 0 : i32
    %c0_i32_0 = arith.constant 0 : i32
    %c0_i32_1 = arith.constant 0 : i32
    return %c0_i32, %c0_i32_0 : i32, i32
  }
  func.func @transform_5(%arg0: i32) -> (i32, i32) {
    %c0_i32 = arith.constant 0 : i32
    %c0_i32_0 = arith.constant 0 : i32
    %c0_i32_1 = arith.constant 0 : i32
    return %c0_i32, %c0_i32_0 : i32, i32
  }
  func.func @transform_6(%arg0: i32) -> (i32, i32) {
    %c0_i32 = arith.constant 0 : i32
    %c0_i32_0 = arith.constant 0 : i32
    %c0_i32_1 = arith.constant 0 : i32
    return %c0_i32, %c0_i32_0 : i32, i32
  }
  func.func @transform_7(%arg0: i32) -> (i32, i32) {
    %c0_i32 = arith.constant 0 : i32
    %c0_i32_0 = arith.constant 0 : i32
    %c0_i32_1 = arith.constant 0 : i32
    return %c0_i32, %c0_i32_0 : i32, i32
  }
  func.func @transform_8(%arg0: i32) -> (i32, i32) {
    %c0_i32 = arith.constant 0 : i32
    %c0_i32_0 = arith.constant 0 : i32
    return %arg0, %c0_i32 : i32, i32
  }
  func.func @transform_9(%arg0: i32) -> (i32, i32) {
    %c0_i32 = arith.constant 0 : i32
    %c0_i32_0 = arith.constant 0 : i32
    return %arg0, %c0_i32 : i32, i32
  }
}

</mosaic_0001>

<sc_bundles>
// kernel: kernel.4.cloned.1.call-start
scs
__scs_entry_jumppad:
0x0: {  	(pc) =	sbr.rel $0x88, $3  }
0x1: {  	(tag) =	ssettag $0x0;
	lr =	simm.s32 $0x1  }
0x2: {  	[smem:$0x3F97] =	sst lr;
	_ =	strace $0xD0000000  }
0x3: {  	_ = 	snop  }
0x4: {  	_ = 	snop  }
0x5: {  	_ = 	snop  }
0x6: {  	_ = 	snop  }
0x7: {  	_ = 	snop  }
__scs_overlays_trampoline_lowered:
0x8: {  	[smem:$0x3FA6] =	sst s0  }
0x9: {  	[smem:$0x3FA7] =	sst s1  }
0xa: {  	[smem:$0x3FA8] =	sst s2  }
0xb: {  	[smem:$0x3FA9] =	sst s3  }
0xc: {  	[smem:$0x3FAA] =	sst s4  }
0xd: {  	[smem:$0x3FAB] =	sst s5  }
0xe: {  	[smem:$0x3FAC] =	sst s6  }
0xf: {  	[smem:$0x3FAD] =	sst s7  }
0x10: {  	[smem:$0x3FAE] =	sst s8  }
0x11: {  	[smem:$0x3FAF] =	sst s9;
	s0 =	simm.s32 @!p0 $0x0  }
0x12: {  	s1 =	sld [smem:$0x3F95];
	s0 =	simm.s32 @p0 $0x1  }
0x13: {  	[smem:$0x3FB0] =	sst s0;
	s0 =	simm.s32 @!p1 $0x0  }
0x14: {  	s2 =	sld [smem:$0x3F94];
	s0 =	simm.s32 @p1 $0x1  }
0x15: {  	[smem:$0x3FB1] =	sst s0;
	s0 =	simm.s32 @!p2 $0x0  }
0x16: {  	s3 =	sld [smem:$0x3FDB];
	s0 =	simm.s32 @p2 $0x1  }
0x17: {  	s4 =	simm.s32 $0x1BF5;
	[smem:$0x3FB3] =	sst s0  }
0x18: {  	s0 =	sld [smem:$0x3F96];
	_ =	swait.ge [sflag:s4], $0x0  }
0x19: {  	s7 =	sld [smem:$0x3F97]  }
0x1a: {  	s8 =	sadd.s32 $0xFFFFE003, lr  }
0x1b: {  	s9 =	sadd.s32 $0xFFFFFEF7, lr;
	s5 =	simm.s32 $0xFFFFFFFF;
	p2 =	slt.u32 s8, $0xFFFFF086  }
0x1c: {  	p1 =	slt.u32 s9, $0xF7A;
	s5 =	simm.s32 @!p2 $0x0  }
0x1d: {  	s5 =	simm.s32 @p1 $0x1;
	p0 =	seq.s32 s7, s2  }
0x1e: {  	s7 =	smul.u32 @!p0 $0xF7A, s2;
	p2 =	seq.s32 @!p0 s5, $0x0  }
0x1f: {  	s9 =	smul.u32 $0xF7A, s1;
	s8 =	simm.s32 @!p0 $0x1BF5;
	p2 =	por !p2, p0  }
0x20: {  	[sflag:s8] =	ssyncset.s32 @!p0 $0xFFFFF086;
	s6 =	sadd.s32 @!p0 s3, s7;
	s7 =	simm.s32 @!p0 $0x108  }
0x21: {  	s3 =	sadd.s32 s3, s9;
	s6 =	sadd.s32 @!p0 $0x88, s6;
	s7 =	simm.s32 @p2 $0x1082  }
0x22: {  	[simem:s7], [sflag:s8] =	dma.local @!p0 [hbm:s6], $0xF7A  }
0x23: {  	s9 =	sor.u32 $0xD0000000, s2;
	s6 =	simm.s32 $0x108;
	_ =	swait.ge @!p0 [sflag:s8], $0x0  }
0x24: {  	s3 =	sadd.s32 $0x88, s3;
	s6 =	simm.s32 @!p1 $0x1082;
	[sflag:s4] =	ssyncset.s32 $0xFFFFF086  }
0x25: {  	[simem:s6], [sflag:s4] =	dma.local [hbm:s3], $0xF7A  }
0x26: {  	[smem:$0x3F97] =	sst s1;
	(tag) =	ssettag s2;
	_ =	strace s9  }
0x27: {  	s1 =	sld [smem:$0x3FA7]  }
0x28: {  	s2 =	sld [smem:$0x3FA8]  }
0x29: {  	s4 =	sld [smem:$0x3FAA]  }
0x2a: {  	p0 =	seq.s32 s5, $0x0;
	s5 =	sld [smem:$0x3FAB]  }
0x2b: {  	s6 =	sld [smem:$0x3FAC]  }
0x2c: {  	s7 =	sld [smem:$0x3FAD]  }
0x2d: {  	s3 =	simm.s32 $0x108;
	s8 =	sld [smem:$0x3FAE]  }
0x2e: {  	s3 =	simm.s32 @!p0 $0x1082;
	s9 =	sld [smem:$0x3FAF]  }
0x2f: {  	lr =	sadd.s32 s0, s3;
	s0 =	sld [smem:$0x3FA6]  }
0x30: {  	s3 =	sld [smem:$0x3FA9]  }
0x31: {  	[smem:$0x3FB2] =	sst s10  }
0x32: {  	s10 =	sld [smem:$0x3FB0];
	_ =	sdelay $0x3  }
0x33: {  	p0 =	seq.s32 s10, $0x1;
	s10 =	sld [smem:$0x3FB2];
	_ =	sdelay $0x3  }
0x34: {  	[smem:$0x3FB2] =	sst s10  }
0x35: {  	s10 =	sld [smem:$0x3FB1];
	_ =	sdelay $0x3  }
0x36: {  	p1 =	seq.s32 s10, $0x1;
	s10 =	sld [smem:$0x3FB2];
	_ =	sdelay $0x3  }
0x37: {  	[smem:$0x3FB2] =	sst s10  }
0x38: {  	s10 =	sld [smem:$0x3FB3]  }
0x39: {  	_ = 	snop;
	(pc) =	sbr.ind lr, $3  }
0x3a: {  	_ = 	snop  }
0x3b: {  	_ = 	snop  }
0x3c: {  	p2 =	seq.s32 s10, $0x1;
	s10 =	sld [smem:$0x3FB2]  }
0x3d: {  	_ =	shalt  }
0x3e: {  	_ =	shalt  }
0x3f: {  	_ =	shalt  }
0x40: {  	_ =	shalt  }
0x41: {  	_ =	shalt  }
0x42: {  	_ =	shalt  }
0x43: {  	_ =	shalt  }
0x44: {  	_ =	shalt  }
0x45: {  	_ =	shalt  }
0x46: {  	_ =	shalt  }
0x47: {  	_ =	shalt  }
0x48: {  	_ =	shalt  }
0x49: {  	_ =	shalt  }
0x4a: {  	_ =	shalt  }
0x4b: {  	_ =	shalt  }
0x4c: {  	_ =	shalt  }
0x4d: {  	_ =	shalt  }
0x4e: {  	_ =	shalt  }
0x4f: {  	_ =	shalt  }
0x50: {  	_ =	shalt  }
0x51: {  	_ =	shalt  }
0x52: {  	_ =	shalt  }
0x53: {  	_ =	shalt  }
0x54: {  	_ =	shalt  }
0x55: {  	_ =	shalt  }
0x56: {  	_ =	shalt  }
0x57: {  	_ =	shalt  }
0x58: {  	_ =	shalt  }
0x59: {  	_ =	shalt  }
0x5a: {  	_ =	shalt  }
0x5b: {  	_ =	shalt  }
0x5c: {  	_ =	shalt  }
0x5d: {  	_ =	shalt  }
0x5e: {  	_ =	shalt  }
0x5f: {  	_ =	shalt  }
0x60: {  	_ =	shalt  }
0x61: {  	_ =	shalt  }
0x62: {  	_ =	shalt  }
0x63: {  	_ =	shalt  }
0x64: {  	_ =	shalt  }
0x65: {  	_ =	shalt  }
0x66: {  	_ =	shalt  }
0x67: {  	_ =	shalt  }
0x68: {  	_ =	shalt  }
0x69: {  	_ =	shalt  }
0x6a: {  	_ =	shalt  }
0x6b: {  	_ =	shalt  }
0x6c: {  	_ =	shalt  }
0x6d: {  	_ =	shalt  }
0x6e: {  	_ =	shalt  }
0x6f: {  	_ =	shalt  }
0x70: {  	_ =	shalt  }
0x71: {  	_ =	shalt  }
0x72: {  	_ =	shalt  }
0x73: {  	_ =	shalt  }
0x74: {  	_ =	shalt  }
0x75: {  	_ =	shalt  }
0x76: {  	_ =	shalt  }
0x77: {  	_ =	shalt  }
0x78: {  	_ =	shalt  }
0x79: {  	_ =	shalt  }
0x7a: {  	_ =	shalt  }
0x7b: {  	_ =	shalt  }
0x7c: {  	_ =	shalt  }
0x7d: {  	_ =	shalt  }
0x7e: {  	_ =	shalt  }
0x7f: {  	_ =	shalt  }
0x80: {  	_ =	shalt  }
0x81: {  	_ =	shalt  }
0x82: {  	_ =	shalt  }
0x83: {  	_ =	shalt  }
0x84: {  	_ =	shalt  }
0x85: {  	_ =	shalt  }
0x86: {  	_ =	shalt  }
0x87: {  	_ =	shalt  }
.Lfunc_end0:
.L_simem_size_0:
called_computation_lowered:
.L_overlay_start_0:
0x88: {  	s2 =	sld [smem:$0x3FD9]  }
0x89: {  	s3 =	sld [smem:$0x3FFE];
	_ =	sdelay $0x1  }
0x8a: {  	s1 =	srdreg.scid  }
0x8b: {  	s0 =	sand.u32 $0x1, s1  }
0x8c: {  	s14 =	sshll.u32 s0, $0xA;
	s2 =	sadd.s32 s3, s2  }
0x8d: {  	s2 =	sadd.s32 s2, s14  }
0x8e: {  	[smem:$0x3FBE] =	sst s2  }
0x8f: {  	_ = 	snop  }
0x90: {  	s2 =	sld [smem:$0x3FD0];
	_ =	sdelay $0x2  }
0x91: {  	s4 =	simm.s32 $0xA;
	s5 =	simm.s32 $0x10;
	s15 =	sld [smem:$0x3FC9]  }
0x92: {  	[smem:s5], [sflag:s4] =	dma.local [hbm:s2], $0x1  }
0x93: {  	_ =	swait.eq [sflag:s4], $0x1  }
0x94: {  	[sflag:s4] =	ssyncset.done $0x0  }
0x95: {  	s16 =	sld [smem:$0x10];
	[sflag:s4] =	ssyncadd.s32 $0xFFFFFFFF  }
0x96: {  	s17 =	sld [smem:$0x11];
	(tm) =	ssettm $0x1  }
0x97: {  	s18 =	sld [smem:$0x3FFB];
	_ =	sdelay $0x3  }
0x98: {  	_ =	strace s18  }
0x99: {  	s5 =	sld [smem:$0x3FFC];
	_ =	sdelay $0x3  }
0x9a: {  	_ =	strace s5  }
0x9b: {  	s5 =	sld [smem:$0x3FFD];
	_ =	sdelay $0x3  }
0x9c: {  	_ =	strace s5  }
0x9d: {  	_ =	strace $0x8FFFFFFF  }
0x9e: {  	s19 =	sld [smem:$0x3FDB];
	_ =	sdelay $0x1  }
0x9f: {  	s6 =	simm.s32 $_scs_section_size  }
0xa0: {  	s7 =	simm.s32 $_size__tile_overlayer_lowered;
	s8 =	simm.s32 $_tile_overlayer_lowered  }
0xa1: {  	s22 =	simm.s32 $0x1BFF;
	s21 =	sshll.u32 s8, $0x1;
	s5 =	sadd.s32 s6, s19  }
0xa2: {  	s9 =	simm.s32 $0x0;
	s20 =	sshll.u32 s7, $0x1;
	s7 =	sadd.s32 s21, s5  }
0xa3: {  	[timem:s9], [sflag:s22] =	dma.local [hbm:s7], s20  }
0xa4: {  	_ =	swait.ge [sflag:s22], s20  }
0xa5: {  	s6 =	ssub.s32 $0x0, s20;
	[sflag:s22] =	ssyncset.done $0x0  }
0xa6: {  	[sflag:s22] =	ssyncadd.s32 s6;
	_ =	sdelay $0x1  }
0xa7: {  	s23 =	simm.s32 $0x1B8B  }
0xa8: {  	_ =	swait.ge [sflag:s23], $0x1  }
0xa9: {  	[sflag:s23] =	ssyncset.done $0x0  }
0xaa: {  	s25 =	simm.s32 $0x1B8E;
	s24 =	sld [smem:$0x3FFE];
	[sflag:s23] =	ssyncadd.s32 $0xFFFFFFFF  }
0xab: {  	s26 =	simm.s32 $execute0_lowered;
	[smem:$0x3FD2] =	sst s25  }
0xac: {  	s7 =	sshll.u32 s26, $0x1;
	_ =	strace $0x80000046;
	[dreg:$0x1] =	wrdreg $0xFFFFFFFF  }
0xad: {  	s28 =	simm.s32 $_size_execute0_lowered;
	s5 =	sadd.s32 s5, s7;
	[dreg:$0x0] =	wrdreg $0x0  }
0xae: {  	s7 =	sshll.u32 s28, $0x1;
	[dreg:$0x2] =	wrdreg s5  }
0xaf: {  	[dreg:$0x3] =	wrdreg s7  }
0xb0: {  	[dreg:$0x4] =	wrdreg $0xC0  }
0xb1: {  	_ =	task [dreg:s9], $0x5FFFF  }
0xb2: {  	[dreg:$0x1] =	wrdreg $0xFFFFFFFF  }
0xb3: {  	[dreg:$0x0] =	wrdreg $0x60  }
0xb4: {  	[dreg:$0x2] =	wrdreg s15  }
0xb5: {  	[dreg:$0x3] =	wrdreg s24  }
0xb6: {  	[dreg:$0x4] =	wrdreg s17  }
0xb7: {  	[dreg:$0x5] =	wrdreg s16  }
0xb8: {  	[dreg:$0x6] =	wrdreg $0x79000  }
0xb9: {  	[dreg:$0x7] =	wrdreg $0x9  }
0xba: {  	_ =	task.clear_ibuf [dreg:s9], $0x8FFFF;
	_ =	strace $0x90000046  }
0xbb: {  	s29 =	simm.s32 $0x9;
	_ =	strace $0x80000048  }
0xbc: {  	_ =	swait.ge [sflag:s29], $0x1  }
0xbd: {  	[sflag:s29] =	ssyncadd.s32 $0xFFFFFFFF  }
0xbe: {  	_ =	strace $0x90000048  }
0xbf: {  	_ =	sfence  }
0xc0: {  	s30 =	sld [smem:$0x0];
	_ =	sdelay $0x2  }
0xc1: {  	s31 =	sshll.u32 s1, $0xD;
	s1 =	sshrl.u32 s1, $0x2  }
0xc2: {  	s3 =	sand.u32 $0x4000, s31;
	s1 =	sadd.s32 s1, s30  }
0xc3: {  	s0 =	sor.u32 s3, s0;
	s1 =	sshll.u32 s1, $0x11  }
0xc4: {  	s0 =	sor.u32 s1, s0  }
0xc5: {  	s0 =	sadd.s32 $0x8F2B, s0  }
0xc6: {  	[sflag:s0] =	ssyncadd.remote.s32 $0x1  }
0xc7: {  	_ =	sfence.sel $0xFFFF  }
0xc8: {  	[dreg:$0x0] =	wrdreg $0xFFFFFFFF;
	(pc) =	sbr.abs _section_cstart, $3  }
0xc9: {  	[dreg:$0x1] =	wrdreg $0xFFFFFFFF  }
0xca: {  	_ =	task.clear_ibuf [dreg:s9], $0x2FFFF;
	_ =	strace $0x9FFFFFFF  }
0xcb: {  	(tm) =	ssettm $0x7FFFFFFF  }
tec
execute0_lowered:
.L_overlay_start_1:
0x0: {  	(tag) =	ssettag $0x1  }
0x1: {  	s1 =	rddreg [dreg:$0x0]  }
0x2: {  	s0 =	rddreg [dreg:$0x1]  }
0x3: {  	s2 =	rddreg [dreg:$0x2]  }
0x4: {  	s3 =	rddreg [dreg:$0x3]  }
0x5: {  	s4 =	rddreg [dreg:$0x4];
	s5 =	srdreg.scid  }
0x6: {  	s6 =	simm.s32 $0x0;
	s12 =	stileid.u32;
	s28 =	simm.s32 $0x1  }
0x7: {  	s29 =	simm.s32 $0x2;
	s30 =	simm.s32 $0x3;
	s31 =	simm.s32 $0x4  }
0x8: {  	s5 =	sand.u32 $0x1, s5;
	[smem:$0x7FF] =	sst s6;
	s9 =	smul.u32 $0x14000, s12  }
0x9: {  	s7 =	sadd.s32 $0x400, s0;
	s10 =	sadd.s32 $0x4E2400, s0;
	s18 =	sshll.u32 s12, $0x1  }
0xa: {  	s19 =	smul.u32 $0x50000, s12;
	s22 =	sshll.u32 s12, $0x6;
	s12 =	simm.s32 $0x0  }
0xb: {  	s8 =	smul.u32 $0x140000, s5;
	_ =	strace $0x80000047;
	[dreg:$0x6] =	wrdreg s10  }
0xc: {  	s17 =	ssub.s32 $0x2, s5;
	s5 =	sor.u32 s5, s18;
	s13 =	sor.u32 $0x1C07, s22  }
0xd: {  	s18 =	simm.s32 $0x7;
	s22 =	simm.s32 $0x2900;
	s21 =	smul.u32 $0x9C4, s5  }
0xe: {  	s11 =	sshrl.u32 s17, $0x1;
	s10 =	sshrl.u32 s19, $0x2;
	s23 =	smul.u32 $0x27100, s5  }
0xf: {  	s14 =	smul.u32 $0xFA, s5;
	s19 =	simm.s32 $0x28;
	[dreg:$0x7] =	wrdreg s13  }
0x10: {  	s8 =	sadd.s32 s9, s8;
	s20 =	ssub.s32 s17, s11;
	s10 =	sadd.s32 s10, s4  }
0x11: {  	s11 =	smul.u32 $0x2710, s5;
	s5 =	simm.s32 $0x6;
	s8 =	sshrl.u32 s8, $0x3  }
0x12: {  	s9 =	sadd.s32 s3, s21;
	s24 =	sadd.s32 s7, s23;
	s25 =	sadd.s32 s2, s23  }
0x13: {  	s26 =	smax.u32 s20, $0x1;
	s10 =	sshrl.u32 s10, $0x3;
	[dreg:$0x8] =	wrdreg s9  }
0x14: {  	s20 =	simm.s32 $0x100;
	s21 =	simm.s32 $0x1500;
	[dreg:$0x9] =	wrdreg s24  }
0x15: {  	s23 =	simm.s32 $0x80;
	s0 =	sadd.s32 s8, s0;
	[dreg:$0xa] =	wrdreg s25  }
0x16: {  	[dreg:$0xc] =	wrdreg s26;
	s24 =	simm.s32 $0x3D00;
	s25 =	simm.s32 $0x5100  }
0x17: {  	s26 =	simm.s32 $0x6500;
	[dreg:$0xd] =	wrdreg s10;
	s0 =	sadd.s32 $0x4E4C00, s0  }
0x18: {  	s8 =	simm.s32 $0xA8;
	[dreg:$0xb] =	wrdreg s0;
	s0 =	simm.s32 $0x5  }
.LBB2_1:
0x19: {  	[dreg:$0xe] =	wrdreg s12  }
0x1a: {  	s9 =	rddreg [dreg:$0x6]  }
0x1b: {  	[spmem:s10], [sflag:s13] =	dma.local [hbm:s9], $0x2800  }
0x1c: {  	_ =	swait.ge [sflag:s18], $0x2800  }
0x1d: {  	[sflag:s18] =	ssyncset.done $0x0  }
0x1e: {  	[sflag:s18] =	ssyncadd.s32 $0xFFFFD800  }
0x1f: {  	[bflag:$0x0] =	sbarrier.arrive $0xFFFF  }
0x20: {  	s15 =	rddreg [dreg:$0x8]  }
0x21: {  	[tilespmem:s6], [sflag:$0x7] =	stream.linear.gather [hbm4b:s15+s6], $0x50, $0x38;
	[tilespmem:$0x1B900] =	vst v63  }
0x22: {  	_ =	swait.ge [sflag:s18], $0x50  }
0x23: {  	[sflag:s18] =	ssyncset.done $0x0  }
0x24: {  	[sflag:s18] =	ssyncadd.s32 $0xFFFFFFB0  }
0x25: {  	[tilespmem:s20], [sflag:$0x1] =	stream.indirect.gather [hbm4b:s1+s19], $0x80, s6, s19, $0xb8;
	[tilespmem:$0x1B900] =	vst v63  }
0x26: {  	s16 =	rddreg [dreg:$0x9]  }
0x27: {  	[tilespmem:s21], [sflag:$0x2] =	stream.linear.gather [hbm4b:s16+s6], $0x1400, $0x38;
	[tilespmem:$0x1B900] =	vst v63  }
0x28: {  	s12 =	simm.s32 $0x0;
	s17 =	rddreg [dreg:$0xa]  }
0x29: {  	[tilespmem:s22], [sflag:$0x3] =	stream.linear.gather [hbm4b:s17+s6], $0x1400, $0x38;
	[tilespmem:$0x1B900] =	vst v63  }
.LBB2_2:
0x2a: {  	s9 =	sshllo.u32 s12, $0x1  }
0x2b: {  	s10 =	sadd.s32 s14, s9  }
0x2c: {  	s10 =	smul.u32 $0xA, s10;
	_ =	sdelay $0x1  }
0x2d: {  	s9 =	smul.u32 $0x28, s9;
	s10 =	sadd.s32 s3, s10  }
0x2e: {  	[tilespmem:s23], [sflag:$0x7] =	stream.linear.gather [hbm4b:s10+s6], $0x50, $0x38;
	[tilespmem:$0x1B900] =	vst v63  }
0x2f: {  	_ =	swait.ge [sflag:s18], $0x50  }
0x30: {  	s9 =	sadd.s32 s11, s9;
	[sflag:s18] =	ssyncset.done $0x0  }
0x31: {  	s9 =	sshll.u32 s9, $0x4;
	[sflag:s18] =	ssyncadd.s32 $0xFFFFFFB0  }
0x32: {  	[tilespmem:s24], [sflag:$0x4] =	stream.indirect.gather [hbm4b:s1+s19], $0x80, s23, s19, $0xb8;
	[tilespmem:$0x1B900] =	vst v63  }
0x33: {  	s17 =	sadd.s32 s7, s9  }
0x34: {  	[tilespmem:s25], [sflag:$0x5] =	stream.linear.gather [hbm4b:s17+s6], $0x1400, $0x38;
	[tilespmem:$0x1B900] =	vst v63  }
0x35: {  	s9 =	sadd.s32 s2, s9  }
0x36: {  	[tilespmem:s26], [sflag:$0x6] =	stream.linear.gather [hbm4b:s9+s6], $0x1400, $0x38;
	[tilespmem:$0x1B900] =	vst v63  }
0x37: {  	_ =	swait.ge [sflag:s28], $0x1400  }
0x38: {  	[sflag:s28] =	ssyncset.done $0x0  }
0x39: {  	[sflag:s28] =	ssyncadd.s32 $0xFFFFEC00  }
0x3a: {  	_ =	swait.ge [sflag:s29], $0x1400  }
0x3b: {  	[sflag:s29] =	ssyncset.done $0x0  }
0x3c: {  	[sflag:s29] =	ssyncadd.s32 $0xFFFFEC00  }
0x3d: {  	_ =	swait.ge [sflag:s30], $0x1400  }
0x3e: {  	[sflag:s30] =	ssyncset.done $0x0  }
0x3f: {  	s16 =	simm.s32 $0x180;
	[sflag:s30] =	ssyncadd.s32 $0xFFFFEC00  }
0x40: {  	s13 =	simm.s32 $0x1580;
	v0 =	vld [tilespmem:s16+$0xFFFFFF80]  }
0x41: {  	v1 =	vld [tilespmem:s13+$0xFFFFFF80]  }
0x42: {  	s15 =	simm.s32 $0x2980  }
0x43: {  	v2 =	vld [tilespmem:s15+$0xFFFFFF80];
	_ =	sdelay $0x2  }
0x44: {  	v0 =	vmul.f32 v1, v0;
	_ =	sdelay $0x1  }
0x45: {  	v0 =	vadd.f32 v2, v0;
	_ =	sdelay $0x1  }
0x46: {  	[tilespmem:s16+$0xFFFFFF80] =	vst v0;
	v0 =	vld [tilespmem:s16+$0xFFFFFF90]  }
0x47: {  	v1 =	vld [tilespmem:s13+$0xFFFFFF90];
	_ =	sdelay $0x1  }
0x48: {  	v2 =	vld [tilespmem:s15+$0xFFFFFF90];
	_ =	sdelay $0x2  }
0x49: {  	v0 =	vmul.f32 v1, v0;
	_ =	sdelay $0x1  }
0x4a: {  	v0 =	vadd.f32 v2, v0;
	_ =	sdelay $0x1  }
0x4b: {  	[tilespmem:s16+$0xFFFFFF90] =	vst v0;
	v0 =	vld [tilespmem:s16+$0xFFFFFFA0]  }
0x4c: {  	v1 =	vld [tilespmem:s13+$0xFFFFFFA0];
	_ =	sdelay $0x1  }
0x4d: {  	v2 =	vld [tilespmem:s15+$0xFFFFFFA0];
	_ =	sdelay $0x2  }
0x4e: {  	v0 =	vmul.f32 v1, v0;
	_ =	sdelay $0x1  }
0x4f: {  	v0 =	vadd.f32 v2, v0;
	_ =	sdelay $0x1  }
0x50: {  	[tilespmem:s16+$0xFFFFFFA0] =	vst v0;
	v0 =	vld [tilespmem:s16+$0xFFFFFFB0]  }
0x51: {  	v1 =	vld [tilespmem:s13+$0xFFFFFFB0];
	_ =	sdelay $0x1  }
0x52: {  	v2 =	vld [tilespmem:s15+$0xFFFFFFB0];
	_ =	sdelay $0x2  }
0x53: {  	v0 =	vmul.f32 v1, v0;
	_ =	sdelay $0x1  }
0x54: {  	v0 =	vadd.f32 v2, v0;
	_ =	sdelay $0x1  }
0x55: {  	[tilespmem:s16+$0xFFFFFFB0] =	vst v0;
	v0 =	vld [tilespmem:s16+$0xFFFFFFC0]  }
0x56: {  	v1 =	vld [tilespmem:s13+$0xFFFFFFC0];
	_ =	sdelay $0x1  }
0x57: {  	v2 =	vld [tilespmem:s15+$0xFFFFFFC0];
	_ =	sdelay $0x2  }
0x58: {  	v0 =	vmul.f32 v1, v0;
	_ =	sdelay $0x1  }
0x59: {  	v0 =	vadd.f32 v2, v0;
	_ =	sdelay $0x1  }
0x5a: {  	[tilespmem:s16+$0xFFFFFFC0] =	vst v0;
	v0 =	vld [tilespmem:s16+$0xFFFFFFD0]  }
0x5b: {  	v1 =	vld [tilespmem:s13+$0xFFFFFFD0];
	_ =	sdelay $0x1  }
0x5c: {  	v2 =	vld [tilespmem:s15+$0xFFFFFFD0];
	_ =	sdelay $0x2  }
0x5d: {  	v0 =	vmul.f32 v1, v0;
	_ =	sdelay $0x1  }
0x5e: {  	v0 =	vadd.f32 v2, v0;
	_ =	sdelay $0x1  }
0x5f: {  	[tilespmem:s16+$0xFFFFFFD0] =	vst v0;
	v0 =	vld [tilespmem:s16+$0xFFFFFFE0]  }
0x60: {  	v1 =	vld [tilespmem:s13+$0xFFFFFFE0];
	_ =	sdelay $0x1  }
0x61: {  	v2 =	vld [tilespmem:s15+$0xFFFFFFE0];
	_ =	sdelay $0x2  }
0x62: {  	v0 =	vmul.f32 v1, v0;
	_ =	sdelay $0x1  }
0x63: {  	v0 =	vadd.f32 v2, v0;
	_ =	sdelay $0x1  }
0x64: {  	[tilespmem:s16+$0xFFFFFFE0] =	vst v0;
	v0 =	vld [tilespmem:s16+$0xFFFFFFF0]  }
0x65: {  	v1 =	vld [tilespmem:s13+$0xFFFFFFF0];
	_ =	sdelay $0x1  }
0x66: {  	v2 =	vld [tilespmem:s15+$0xFFFFFFF0];
	_ =	sdelay $0x2  }
0x67: {  	v0 =	vmul.f32 v1, v0;
	_ =	sdelay $0x1  }
0x68: {  	v0 =	vadd.f32 v2, v0;
	_ =	sdelay $0x1  }
0x69: {  	[tilespmem:s16+$0xFFFFFFF0] =	vst v0;
	v0 =	vld [tilespmem:s16+$0x0]  }
0x6a: {  	v1 =	vld [tilespmem:s13+$0x0];
	_ =	sdelay $0x1  }
0x6b: {  	v2 =	vld [tilespmem:s15+$0x0];
	_ =	sdelay $0x2  }
0x6c: {  	v0 =	vmul.f32 v1, v0;
	_ =	sdelay $0x1  }
0x6d: {  	v0 =	vadd.f32 v2, v0;
	_ =	sdelay $0x1  }
0x6e: {  	[tilespmem:s16+$0x0] =	vst v0;
	v0 =	vld [tilespmem:s16+$0x10]  }
0x6f: {  	v1 =	vld [tilespmem:s13+$0x10];
	_ =	sdelay $0x1  }
0x70: {  	v2 =	vld [tilespmem:s15+$0x10];
	_ =	sdelay $0x2  }
0x71: {  	v0 =	vmul.f32 v1, v0;
	_ =	sdelay $0x1  }
0x72: {  	v0 =	vadd.f32 v2, v0;
	_ =	sdelay $0x1  }
0x73: {  	[tilespmem:s16+$0x10] =	vst v0;
	v0 =	vld [tilespmem:s16+$0x20]  }
0x74: {  	v1 =	vld [tilespmem:s13+$0x20];
	_ =	sdelay $0x1  }
0x75: {  	v2 =	vld [tilespmem:s15+$0x20];
	_ =	sdelay $0x2  }
0x76: {  	v0 =	vmul.f32 v1, v0;
	_ =	sdelay $0x1  }
0x77: {  	v0 =	vadd.f32 v2, v0;
	_ =	sdelay $0x1  }
0x78: {  	[tilespmem:s16+$0x20] =	vst v0;
	v0 =	vld [tilespmem:s16+$0x30]  }
0x79: {  	v1 =	vld [tilespmem:s13+$0x30];
	_ =	sdelay $0x1  }
0x7a: {  	v2 =	vld [tilespmem:s15+$0x30];
	_ =	sdelay $0x2  }
0x7b: {  	v0 =	vmul.f32 v1, v0;
	_ =	sdelay $0x1  }
0x7c: {  	v0 =	vadd.f32 v2, v0;
	_ =	sdelay $0x1  }
0x7d: {  	[tilespmem:s16+$0x30] =	vst v0;
	v0 =	vld [tilespmem:s16+$0x40]  }
0x7e: {  	v1 =	vld [tilespmem:s13+$0x40];
	_ =	sdelay $0x1  }
0x7f: {  	v2 =	vld [tilespmem:s15+$0x40];
	_ =	sdelay $0x2  }
0x80: {  	v0 =	vmul.f32 v1, v0;
	_ =	sdelay $0x1  }
0x81: {  	v0 =	vadd.f32 v2, v0;
	_ =	sdelay $0x1  }
0x82: {  	[tilespmem:s16+$0x40] =	vst v0;
	v0 =	vld [tilespmem:s16+$0x50]  }
0x83: {  	v1 =	vld [tilespmem:s13+$0x50];
	_ =	sdelay $0x1  }
0x84: {  	v2 =	vld [tilespmem:s15+$0x50];
	_ =	sdelay $0x2  }
0x85: {  	v0 =	vmul.f32 v1, v0;
	_ =	sdelay $0x1  }
0x86: {  	v0 =	vadd.f32 v2, v0;
	_ =	sdelay $0x1  }
0x87: {  	[tilespmem:s16+$0x50] =	vst v0;
	v0 =	vld [tilespmem:s16+$0x60]  }
0x88: {  	v1 =	vld [tilespmem:s13+$0x60];
	_ =	sdelay $0x1  }
0x89: {  	v2 =	vld [tilespmem:s15+$0x60];
	_ =	sdelay $0x2  }
0x8a: {  	v0 =	vmul.f32 v1, v0;
	_ =	sdelay $0x1  }
0x8b: {  	v0 =	vadd.f32 v2, v0;
	_ =	sdelay $0x1  }
0x8c: {  	[tilespmem:s16+$0x60] =	vst v0;
	v0 =	vld [tilespmem:s16+$0x70]  }
0x8d: {  	v1 =	vld [tilespmem:s13+$0x70];
	_ =	sdelay $0x1  }
0x8e: {  	v2 =	vld [tilespmem:s15+$0x70];
	_ =	sdelay $0x2  }
0x8f: {  	v0 =	vmul.f32 v1, v0;
	_ =	sdelay $0x1  }
0x90: {  	v0 =	vadd.f32 v2, v0  }
0x91: {  	s10 =	simm.s32 $0x280;
	s17 =	simm.s32 $0x0;
	s9 =	sshll.u32 s12, $0x1  }
.LBB2_3:
0x92: {  	v1 =	vld [tilespmem:s10+$0xFFFFFF80];
	s17 =	sadd.s32 $0x2, s17;
	[tilespmem:s16+$0x70] =	vst v0;
	s15 =	sadd.s32 $0x100, s15;
	s13 =	sadd.s32 $0x100, s13  }
0x93: {  	s16 =	smov.u32 s10;
	v0 =	vld [tilespmem:s13+$0xFFFFFF80];
	p0 =	slt.u32 s17, $0x26;
	_ =	sdelay $0x1  }
0x94: {  	v2 =	vld [tilespmem:s15+$0xFFFFFF80];
	_ =	sdelay $0x2  }
0x95: {  	v0 =	vmul.f32 v0, v1;
	_ =	sdelay $0x1  }
0x96: {  	v0 =	vadd.f32 v2, v0;
	_ =	sdelay $0x1  }
0x97: {  	[tilespmem:s10+$0xFFFFFF80] =	vst v0;
	v0 =	vld [tilespmem:s10+$0xFFFFFF90]  }
0x98: {  	v1 =	vld [tilespmem:s13+$0xFFFFFF90];
	_ =	sdelay $0x1  }
0x99: {  	v2 =	vld [tilespmem:s15+$0xFFFFFF90];
	_ =	sdelay $0x2  }
0x9a: {  	v0 =	vmul.f32 v1, v0;
	_ =	sdelay $0x1  }
0x9b: {  	v0 =	vadd.f32 v2, v0;
	_ =	sdelay $0x1  }
0x9c: {  	[tilespmem:s10+$0xFFFFFF90] =	vst v0;
	v0 =	vld [tilespmem:s10+$0xFFFFFFA0]  }
0x9d: {  	v1 =	vld [tilespmem:s13+$0xFFFFFFA0];
	_ =	sdelay $0x1  }
0x9e: {  	v2 =	vld [tilespmem:s15+$0xFFFFFFA0];
	_ =	sdelay $0x2  }
0x9f: {  	v0 =	vmul.f32 v1, v0;
	_ =	sdelay $0x1  }
0xa0: {  	v0 =	vadd.f32 v2, v0;
	_ =	sdelay $0x1  }
0xa1: {  	[tilespmem:s10+$0xFFFFFFA0] =	vst v0;
	v0 =	vld [tilespmem:s10+$0xFFFFFFB0]  }
0xa2: {  	v1 =	vld [tilespmem:s13+$0xFFFFFFB0];
	_ =	sdelay $0x1  }
0xa3: {  	v2 =	vld [tilespmem:s15+$0xFFFFFFB0];
	_ =	sdelay $0x2  }
0xa4: {  	v0 =	vmul.f32 v1, v0;
	_ =	sdelay $0x1  }
0xa5: {  	v0 =	vadd.f32 v2, v0;
	_ =	sdelay $0x1  }
0xa6: {  	[tilespmem:s10+$0xFFFFFFB0] =	vst v0;
	v0 =	vld [tilespmem:s10+$0xFFFFFFC0]  }
0xa7: {  	v1 =	vld [tilespmem:s13+$0xFFFFFFC0];
	_ =	sdelay $0x1  }
0xa8: {  	v2 =	vld [tilespmem:s15+$0xFFFFFFC0];
	_ =	sdelay $0x2  }
0xa9: {  	v0 =	vmul.f32 v1, v0;
	_ =	sdelay $0x1  }
0xaa: {  	v0 =	vadd.f32 v2, v0;
	_ =	sdelay $0x1  }
0xab: {  	[tilespmem:s10+$0xFFFFFFC0] =	vst v0;
	v0 =	vld [tilespmem:s10+$0xFFFFFFD0]  }
0xac: {  	v1 =	vld [tilespmem:s13+$0xFFFFFFD0];
	_ =	sdelay $0x1  }
0xad: {  	v2 =	vld [tilespmem:s15+$0xFFFFFFD0];
	_ =	sdelay $0x2  }
0xae: {  	v0 =	vmul.f32 v1, v0;
	_ =	sdelay $0x1  }
0xaf: {  	v0 =	vadd.f32 v2, v0;
	_ =	sdelay $0x1  }
0xb0: {  	[tilespmem:s10+$0xFFFFFFD0] =	vst v0;
	v0 =	vld [tilespmem:s10+$0xFFFFFFE0]  }
0xb1: {  	v1 =	vld [tilespmem:s13+$0xFFFFFFE0];
	_ =	sdelay $0x1  }
0xb2: {  	v2 =	vld [tilespmem:s15+$0xFFFFFFE0];
	_ =	sdelay $0x2  }
0xb3: {  	v0 =	vmul.f32 v1, v0;
	_ =	sdelay $0x1  }
0xb4: {  	v0 =	vadd.f32 v2, v0;
	_ =	sdelay $0x1  }
0xb5: {  	[tilespmem:s10+$0xFFFFFFE0] =	vst v0;
	v0 =	vld [tilespmem:s10+$0xFFFFFFF0]  }
0xb6: {  	v1 =	vld [tilespmem:s13+$0xFFFFFFF0];
	_ =	sdelay $0x1  }
0xb7: {  	v2 =	vld [tilespmem:s15+$0xFFFFFFF0];
	_ =	sdelay $0x2  }
0xb8: {  	v0 =	vmul.f32 v1, v0;
	_ =	sdelay $0x1  }
0xb9: {  	v0 =	vadd.f32 v2, v0;
	_ =	sdelay $0x1  }
0xba: {  	[tilespmem:s10+$0xFFFFFFF0] =	vst v0;
	v0 =	vld [tilespmem:s10+$0x0]  }
0xbb: {  	v1 =	vld [tilespmem:s13+$0x0];
	_ =	sdelay $0x1  }
0xbc: {  	v2 =	vld [tilespmem:s15+$0x0];
	_ =	sdelay $0x2  }
0xbd: {  	v0 =	vmul.f32 v1, v0;
	_ =	sdelay $0x1  }
0xbe: {  	v0 =	vadd.f32 v2, v0;
	_ =	sdelay $0x1  }
0xbf: {  	[tilespmem:s10+$0x0] =	vst v0;
	v0 =	vld [tilespmem:s10+$0x10]  }
0xc0: {  	v1 =	vld [tilespmem:s13+$0x10]  }
0xc1: {  	v2 =	vld [tilespmem:s15+$0x10];
	_ =	sdelay $0x3  }
0xc2: {  	v0 =	vmul.f32 v1, v0;
	_ =	sdelay $0x1  }
0xc3: {  	v0 =	vadd.f32 v2, v0;
	_ =	sdelay $0x1  }
0xc4: {  	[tilespmem:s10+$0x10] =	vst v0;
	v0 =	vld [tilespmem:s10+$0x20]  }
0xc5: {  	v1 =	vld [tilespmem:s13+$0x20]  }
0xc6: {  	v2 =	vld [tilespmem:s15+$0x20];
	_ =	sdelay $0x3  }
0xc7: {  	v0 =	vmul.f32 v1, v0;
	_ =	sdelay $0x1  }
0xc8: {  	v0 =	vadd.f32 v2, v0;
	_ =	sdelay $0x1  }
0xc9: {  	[tilespmem:s10+$0x20] =	vst v0;
	v0 =	vld [tilespmem:s10+$0x30]  }
0xca: {  	v1 =	vld [tilespmem:s13+$0x30]  }
0xcb: {  	v2 =	vld [tilespmem:s15+$0x30];
	_ =	sdelay $0x3  }
0xcc: {  	v0 =	vmul.f32 v1, v0;
	_ =	sdelay $0x1  }
0xcd: {  	v0 =	vadd.f32 v2, v0;
	_ =	sdelay $0x1  }
0xce: {  	[tilespmem:s10+$0x30] =	vst v0;
	v0 =	vld [tilespmem:s10+$0x40]  }
0xcf: {  	v1 =	vld [tilespmem:s13+$0x40]  }
0xd0: {  	v2 =	vld [tilespmem:s15+$0x40];
	_ =	sdelay $0x3  }
0xd1: {  	v0 =	vmul.f32 v1, v0;
	_ =	sdelay $0x1  }
0xd2: {  	v0 =	vadd.f32 v2, v0;
	_ =	sdelay $0x1  }
0xd3: {  	[tilespmem:s10+$0x40] =	vst v0;
	v0 =	vld [tilespmem:s10+$0x50]  }
0xd4: {  	v1 =	vld [tilespmem:s13+$0x50]  }
0xd5: {  	v2 =	vld [tilespmem:s15+$0x50];
	_ =	sdelay $0x3  }
0xd6: {  	v0 =	vmul.f32 v1, v0;
	_ =	sdelay $0x1  }
0xd7: {  	v0 =	vadd.f32 v2, v0;
	_ =	sdelay $0x1  }
0xd8: {  	[tilespmem:s10+$0x50] =	vst v0;
	v0 =	vld [tilespmem:s10+$0x60]  }
0xd9: {  	v1 =	vld [tilespmem:s13+$0x60]  }
0xda: {  	v2 =	vld [tilespmem:s15+$0x60];
	_ =	sdelay $0x3  }
0xdb: {  	v0 =	vmul.f32 v1, v0;
	_ =	sdelay $0x1  }
0xdc: {  	v0 =	vadd.f32 v2, v0;
	_ =	sdelay $0x1  }
0xdd: {  	[tilespmem:s10+$0x60] =	vst v0;
	v0 =	vld [tilespmem:s10+$0x70]  }
0xde: {  	v1 =	vld [tilespmem:s13+$0x70]  }
0xdf: {  	v2 =	vld [tilespmem:s15+$0x70];
	_ =	sdelay $0x2  }
.Ltmp0:
0xe0: {  	(pc) =	sbr.rel @p0 .LBB2_3-.Ltmp0, $3  }
0xe1: {  	v0 =	vmul.f32 v1, v0;
	_ =	sdelay $0x1  }
0xe2: {  	v0 =	vadd.f32 v2, v0  }
0xe3: {  	s10 =	sadd.s32 $0x100, s10  }
0xe4: {  	[tilespmem:s16+$0x70] =	vst v0;
	s9 =	smin.u32 s9, $0xF7  }
0xe5: {  	[spmem:s4] =	stream.indirect.scatter.add.f32 [tilespmem:s20], [sflag:$0x7], $0x80, s19, s19, $0xb8;
	[tilespmem:$0x1B900] =	vst v63  }
0xe6: {  	s9 =	sadd.s32 $0x2, s9  }
0xe7: {  	s10 =	sadd.s32 s14, s9  }
0xe8: {  	_ =	swait.ge [sflag:s18], $0x1400;
	s10 =	smul.u32 $0xA, s10  }
0xe9: {  	[sflag:s18] =	ssyncset.done $0x0  }
0xea: {  	s9 =	smul.u32 $0x28, s9;
	[sflag:s18] =	ssyncadd.s32 $0xFFFFEC00;
	s10 =	sadd.s32 s3, s10  }
0xeb: {  	[tilespmem:s6], [sflag:$0x7] =	stream.linear.gather [hbm4b:s10+s6], $0x50, $0x38;
	[tilespmem:$0x1B900] =	vst v63  }
0xec: {  	_ =	swait.ge [sflag:s18], $0x50  }
0xed: {  	s9 =	sadd.s32 s11, s9;
	[sflag:s18] =	ssyncset.done $0x0  }
0xee: {  	s9 =	sshll.u32 s9, $0x4;
	[sflag:s18] =	ssyncadd.s32 $0xFFFFFFB0  }
0xef: {  	[tilespmem:s20], [sflag:$0x1] =	stream.indirect.gather [hbm4b:s1+s19], $0x80, s6, s19, $0xb8;
	[tilespmem:$0x1B900] =	vst v63  }
0xf0: {  	s17 =	sadd.s32 s7, s9  }
0xf1: {  	[tilespmem:s21], [sflag:$0x2] =	stream.linear.gather [hbm4b:s17+s6], $0x1400, $0x38;
	[tilespmem:$0x1B900] =	vst v63  }
0xf2: {  	s9 =	sadd.s32 s2, s9  }
0xf3: {  	[tilespmem:s22], [sflag:$0x3] =	stream.linear.gather [hbm4b:s9+s6], $0x1400, $0x38;
	[tilespmem:$0x1B900] =	vst v63  }
0xf4: {  	_ =	swait.ge [sflag:s31], $0x1400  }
0xf5: {  	[sflag:s31] =	ssyncset.done $0x0  }
0xf6: {  	[sflag:s31] =	ssyncadd.s32 $0xFFFFEC00  }
0xf7: {  	_ =	swait.ge [sflag:s0], $0x1400  }
0xf8: {  	[sflag:s0] =	ssyncset.done $0x0  }
0xf9: {  	[sflag:s0] =	ssyncadd.s32 $0xFFFFEC00  }
0xfa: {  	_ =	swait.ge [sflag:s5], $0x1400  }
0xfb: {  	[sflag:s5] =	ssyncset.done $0x0  }
0xfc: {  	s16 =	simm.s32 $0x3D80;
	[sflag:s5] =	ssyncadd.s32 $0xFFFFEC00  }
0xfd: {  	s13 =	simm.s32 $0x5180;
	v0 =	vld [tilespmem:s16+$0xFFFFFF80]  }
0xfe: {  	v1 =	vld [tilespmem:s13+$0xFFFFFF80]  }
0xff: {  	s15 =	simm.s32 $0x6580  }
0x100: {  	v2 =	vld [tilespmem:s15+$0xFFFFFF80];
	_ =	sdelay $0x2  }
0x101: {  	v0 =	vmul.f32 v1, v0;
	_ =	sdelay $0x1  }
0x102: {  	v0 =	vadd.f32 v2, v0;
	_ =	sdelay $0x1  }
0x103: {  	[tilespmem:s16+$0xFFFFFF80] =	vst v0;
	v0 =	vld [tilespmem:s16+$0xFFFFFF90]  }
0x104: {  	v1 =	vld [tilespmem:s13+$0xFFFFFF90];
	_ =	sdelay $0x1  }
0x105: {  	v2 =	vld [tilespmem:s15+$0xFFFFFF90];
	_ =	sdelay $0x2  }
0x106: {  	v0 =	vmul.f32 v1, v0;
	_ =	sdelay $0x1  }
0x107: {  	v0 =	vadd.f32 v2, v0;
	_ =	sdelay $0x1  }
0x108: {  	[tilespmem:s16+$0xFFFFFF90] =	vst v0;
	v0 =	vld [tilespmem:s16+$0xFFFFFFA0]  }
0x109: {  	v1 =	vld [tilespmem:s13+$0xFFFFFFA0];
	_ =	sdelay $0x1  }
0x10a: {  	v2 =	vld [tilespmem:s15+$0xFFFFFFA0];
	_ =	sdelay $0x2  }
0x10b: {  	v0 =	vmul.f32 v1, v0;
	_ =	sdelay $0x1  }
0x10c: {  	v0 =	vadd.f32 v2, v0;
	_ =	sdelay $0x1  }
0x10d: {  	[tilespmem:s16+$0xFFFFFFA0] =	vst v0;
	v0 =	vld [tilespmem:s16+$0xFFFFFFB0]  }
0x10e: {  	v1 =	vld [tilespmem:s13+$0xFFFFFFB0];
	_ =	sdelay $0x1  }
0x10f: {  	v2 =	vld [tilespmem:s15+$0xFFFFFFB0];
	_ =	sdelay $0x2  }
0x110: {  	v0 =	vmul.f32 v1, v0;
	_ =	sdelay $0x1  }
0x111: {  	v0 =	vadd.f32 v2, v0;
	_ =	sdelay $0x1  }
0x112: {  	[tilespmem:s16+$0xFFFFFFB0] =	vst v0;
	v0 =	vld [tilespmem:s16+$0xFFFFFFC0]  }
0x113: {  	v1 =	vld [tilespmem:s13+$0xFFFFFFC0];
	_ =	sdelay $0x1  }
0x114: {  	v2 =	vld [tilespmem:s15+$0xFFFFFFC0];
	_ =	sdelay $0x2  }
0x115: {  	v0 =	vmul.f32 v1, v0;
	_ =	sdelay $0x1  }
0x116: {  	v0 =	vadd.f32 v2, v0;
	_ =	sdelay $0x1  }
0x117: {  	[tilespmem:s16+$0xFFFFFFC0] =	vst v0;
	v0 =	vld [tilespmem:s16+$0xFFFFFFD0]  }
0x118: {  	v1 =	vld [tilespmem:s13+$0xFFFFFFD0];
	_ =	sdelay $0x1  }
0x119: {  	v2 =	vld [tilespmem:s15+$0xFFFFFFD0];
	_ =	sdelay $0x2  }
0x11a: {  	v0 =	vmul.f32 v1, v0;
	_ =	sdelay $0x1  }
0x11b: {  	v0 =	vadd.f32 v2, v0;
	_ =	sdelay $0x1  }
0x11c: {  	[tilespmem:s16+$0xFFFFFFD0] =	vst v0;
	v0 =	vld [tilespmem:s16+$0xFFFFFFE0]  }
0x11d: {  	v1 =	vld [tilespmem:s13+$0xFFFFFFE0];
	_ =	sdelay $0x1  }
0x11e: {  	v2 =	vld [tilespmem:s15+$0xFFFFFFE0];
	_ =	sdelay $0x2  }
0x11f: {  	v0 =	vmul.f32 v1, v0;
	_ =	sdelay $0x1  }
0x120: {  	v0 =	vadd.f32 v2, v0;
	_ =	sdelay $0x1  }
0x121: {  	[tilespmem:s16+$0xFFFFFFE0] =	vst v0;
	v0 =	vld [tilespmem:s16+$0xFFFFFFF0]  }
0x122: {  	v1 =	vld [tilespmem:s13+$0xFFFFFFF0];
	_ =	sdelay $0x1  }
0x123: {  	v2 =	vld [tilespmem:s15+$0xFFFFFFF0];
	_ =	sdelay $0x2  }
0x124: {  	v0 =	vmul.f32 v1, v0;
	_ =	sdelay $0x1  }
0x125: {  	v0 =	vadd.f32 v2, v0;
	_ =	sdelay $0x1  }
0x126: {  	[tilespmem:s16+$0xFFFFFFF0] =	vst v0;
	v0 =	vld [tilespmem:s16+$0x0]  }
0x127: {  	v1 =	vld [tilespmem:s13+$0x0];
	_ =	sdelay $0x1  }
0x128: {  	v2 =	vld [tilespmem:s15+$0x0];
	_ =	sdelay $0x2  }
0x129: {  	v0 =	vmul.f32 v1, v0;
	_ =	sdelay $0x1  }
0x12a: {  	v0 =	vadd.f32 v2, v0;
	_ =	sdelay $0x1  }
0x12b: {  	[tilespmem:s16+$0x0] =	vst v0;
	v0 =	vld [tilespmem:s16+$0x10]  }
0x12c: {  	v1 =	vld [tilespmem:s13+$0x10];
	_ =	sdelay $0x1  }
0x12d: {  	v2 =	vld [tilespmem:s15+$0x10];
	_ =	sdelay $0x2  }
0x12e: {  	v0 =	vmul.f32 v1, v0;
	_ =	sdelay $0x1  }
0x12f: {  	v0 =	vadd.f32 v2, v0;
	_ =	sdelay $0x1  }
0x130: {  	[tilespmem:s16+$0x10] =	vst v0;
	v0 =	vld [tilespmem:s16+$0x20]  }
0x131: {  	v1 =	vld [tilespmem:s13+$0x20];
	_ =	sdelay $0x1  }
0x132: {  	v2 =	vld [tilespmem:s15+$0x20];
	_ =	sdelay $0x2  }
0x133: {  	v0 =	vmul.f32 v1, v0;
	_ =	sdelay $0x1  }
0x134: {  	v0 =	vadd.f32 v2, v0;
	_ =	sdelay $0x1  }
0x135: {  	[tilespmem:s16+$0x20] =	vst v0;
	v0 =	vld [tilespmem:s16+$0x30]  }
0x136: {  	v1 =	vld [tilespmem:s13+$0x30];
	_ =	sdelay $0x1  }
0x137: {  	v2 =	vld [tilespmem:s15+$0x30];
	_ =	sdelay $0x2  }
0x138: {  	v0 =	vmul.f32 v1, v0;
	_ =	sdelay $0x1  }
0x139: {  	v0 =	vadd.f32 v2, v0;
	_ =	sdelay $0x1  }
0x13a: {  	[tilespmem:s16+$0x30] =	vst v0;
	v0 =	vld [tilespmem:s16+$0x40]  }
0x13b: {  	v1 =	vld [tilespmem:s13+$0x40];
	_ =	sdelay $0x1  }
0x13c: {  	v2 =	vld [tilespmem:s15+$0x40];
	_ =	sdelay $0x2  }
0x13d: {  	v0 =	vmul.f32 v1, v0;
	_ =	sdelay $0x1  }
0x13e: {  	v0 =	vadd.f32 v2, v0;
	_ =	sdelay $0x1  }
0x13f: {  	[tilespmem:s16+$0x40] =	vst v0;
	v0 =	vld [tilespmem:s16+$0x50]  }
0x140: {  	v1 =	vld [tilespmem:s13+$0x50];
	_ =	sdelay $0x1  }
0x141: {  	v2 =	vld [tilespmem:s15+$0x50];
	_ =	sdelay $0x2  }
0x142: {  	v0 =	vmul.f32 v1, v0;
	_ =	sdelay $0x1  }
0x143: {  	v0 =	vadd.f32 v2, v0;
	_ =	sdelay $0x1  }
0x144: {  	[tilespmem:s16+$0x50] =	vst v0;
	v0 =	vld [tilespmem:s16+$0x60]  }
0x145: {  	v1 =	vld [tilespmem:s13+$0x60];
	_ =	sdelay $0x1  }
0x146: {  	v2 =	vld [tilespmem:s15+$0x60];
	_ =	sdelay $0x2  }
0x147: {  	v0 =	vmul.f32 v1, v0;
	_ =	sdelay $0x1  }
0x148: {  	v0 =	vadd.f32 v2, v0;
	_ =	sdelay $0x1  }
0x149: {  	[tilespmem:s16+$0x60] =	vst v0;
	v0 =	vld [tilespmem:s16+$0x70]  }
0x14a: {  	v1 =	vld [tilespmem:s13+$0x70];
	_ =	sdelay $0x1  }
0x14b: {  	v2 =	vld [tilespmem:s15+$0x70];
	_ =	sdelay $0x2  }
0x14c: {  	v0 =	vmul.f32 v1, v0;
	_ =	sdelay $0x1  }
0x14d: {  	v0 =	vadd.f32 v2, v0  }
0x14e: {  	s10 =	simm.s32 $0x3E80;
	s9 =	simm.s32 $0x0  }
.LBB2_5:
0x14f: {  	v1 =	vld [tilespmem:s10+$0xFFFFFF80];
	s9 =	sadd.s32 $0x2, s9;
	[tilespmem:s16+$0x70] =	vst v0;
	s15 =	sadd.s32 $0x100, s15;
	s13 =	sadd.s32 $0x100, s13  }
0x150: {  	s16 =	smov.u32 s10;
	v0 =	vld [tilespmem:s13+$0xFFFFFF80];
	p0 =	slt.u32 s9, $0x26;
	_ =	sdelay $0x1  }
0x151: {  	v2 =	vld [tilespmem:s15+$0xFFFFFF80];
	_ =	sdelay $0x2  }
0x152: {  	v0 =	vmul.f32 v0, v1;
	_ =	sdelay $0x1  }
0x153: {  	v0 =	vadd.f32 v2, v0;
	_ =	sdelay $0x1  }
0x154: {  	[tilespmem:s10+$0xFFFFFF80] =	vst v0;
	v0 =	vld [tilespmem:s10+$0xFFFFFF90]  }
0x155: {  	v1 =	vld [tilespmem:s13+$0xFFFFFF90];
	_ =	sdelay $0x1  }
0x156: {  	v2 =	vld [tilespmem:s15+$0xFFFFFF90];
	_ =	sdelay $0x2  }
0x157: {  	v0 =	vmul.f32 v1, v0;
	_ =	sdelay $0x1  }
0x158: {  	v0 =	vadd.f32 v2, v0;
	_ =	sdelay $0x1  }
0x159: {  	[tilespmem:s10+$0xFFFFFF90] =	vst v0;
	v0 =	vld [tilespmem:s10+$0xFFFFFFA0]  }
0x15a: {  	v1 =	vld [tilespmem:s13+$0xFFFFFFA0];
	_ =	sdelay $0x1  }
0x15b: {  	v2 =	vld [tilespmem:s15+$0xFFFFFFA0];
	_ =	sdelay $0x2  }
0x15c: {  	v0 =	vmul.f32 v1, v0;
	_ =	sdelay $0x1  }
0x15d: {  	v0 =	vadd.f32 v2, v0;
	_ =	sdelay $0x1  }
0x15e: {  	[tilespmem:s10+$0xFFFFFFA0] =	vst v0;
	v0 =	vld [tilespmem:s10+$0xFFFFFFB0]  }
0x15f: {  	v1 =	vld [tilespmem:s13+$0xFFFFFFB0];
	_ =	sdelay $0x1  }
0x160: {  	v2 =	vld [tilespmem:s15+$0xFFFFFFB0];
	_ =	sdelay $0x2  }
0x161: {  	v0 =	vmul.f32 v1, v0;
	_ =	sdelay $0x1  }
0x162: {  	v0 =	vadd.f32 v2, v0;
	_ =	sdelay $0x1  }
0x163: {  	[tilespmem:s10+$0xFFFFFFB0] =	vst v0;
	v0 =	vld [tilespmem:s10+$0xFFFFFFC0]  }
0x164: {  	v1 =	vld [tilespmem:s13+$0xFFFFFFC0];
	_ =	sdelay $0x1  }
0x165: {  	v2 =	vld [tilespmem:s15+$0xFFFFFFC0];
	_ =	sdelay $0x2  }
0x166: {  	v0 =	vmul.f32 v1, v0;
	_ =	sdelay $0x1  }
0x167: {  	v0 =	vadd.f32 v2, v0;
	_ =	sdelay $0x1  }
0x168: {  	[tilespmem:s10+$0xFFFFFFC0] =	vst v0;
	v0 =	vld [tilespmem:s10+$0xFFFFFFD0]  }
0x169: {  	v1 =	vld [tilespmem:s13+$0xFFFFFFD0];
	_ =	sdelay $0x1  }
0x16a: {  	v2 =	vld [tilespmem:s15+$0xFFFFFFD0];
	_ =	sdelay $0x2  }
0x16b: {  	v0 =	vmul.f32 v1, v0;
	_ =	sdelay $0x1  }
0x16c: {  	v0 =	vadd.f32 v2, v0;
	_ =	sdelay $0x1  }
0x16d: {  	[tilespmem:s10+$0xFFFFFFD0] =	vst v0;
	v0 =	vld [tilespmem:s10+$0xFFFFFFE0]  }
0x16e: {  	v1 =	vld [tilespmem:s13+$0xFFFFFFE0];
	_ =	sdelay $0x1  }
0x16f: {  	v2 =	vld [tilespmem:s15+$0xFFFFFFE0];
	_ =	sdelay $0x2  }
0x170: {  	v0 =	vmul.f32 v1, v0;
	_ =	sdelay $0x1  }
0x171: {  	v0 =	vadd.f32 v2, v0;
	_ =	sdelay $0x1  }
0x172: {  	[tilespmem:s10+$0xFFFFFFE0] =	vst v0;
	v0 =	vld [tilespmem:s10+$0xFFFFFFF0]  }
0x173: {  	v1 =	vld [tilespmem:s13+$0xFFFFFFF0];
	_ =	sdelay $0x1  }
0x174: {  	v2 =	vld [tilespmem:s15+$0xFFFFFFF0];
	_ =	sdelay $0x2  }
0x175: {  	v0 =	vmul.f32 v1, v0;
	_ =	sdelay $0x1  }
0x176: {  	v0 =	vadd.f32 v2, v0;
	_ =	sdelay $0x1  }
0x177: {  	[tilespmem:s10+$0xFFFFFFF0] =	vst v0;
	v0 =	vld [tilespmem:s10+$0x0]  }
0x178: {  	v1 =	vld [tilespmem:s13+$0x0];
	_ =	sdelay $0x1  }
0x179: {  	v2 =	vld [tilespmem:s15+$0x0];
	_ =	sdelay $0x2  }
0x17a: {  	v0 =	vmul.f32 v1, v0;
	_ =	sdelay $0x1  }
0x17b: {  	v0 =	vadd.f32 v2, v0;
	_ =	sdelay $0x1  }
0x17c: {  	[tilespmem:s10+$0x0] =	vst v0;
	v0 =	vld [tilespmem:s10+$0x10]  }
0x17d: {  	v1 =	vld [tilespmem:s13+$0x10]  }
0x17e: {  	v2 =	vld [tilespmem:s15+$0x10];
	_ =	sdelay $0x3  }
0x17f: {  	v0 =	vmul.f32 v1, v0;
	_ =	sdelay $0x1  }
0x180: {  	v0 =	vadd.f32 v2, v0;
	_ =	sdelay $0x1  }
0x181: {  	[tilespmem:s10+$0x10] =	vst v0;
	v0 =	vld [tilespmem:s10+$0x20]  }
0x182: {  	v1 =	vld [tilespmem:s13+$0x20]  }
0x183: {  	v2 =	vld [tilespmem:s15+$0x20];
	_ =	sdelay $0x3  }
0x184: {  	v0 =	vmul.f32 v1, v0;
	_ =	sdelay $0x1  }
0x185: {  	v0 =	vadd.f32 v2, v0;
	_ =	sdelay $0x1  }
0x186: {  	[tilespmem:s10+$0x20] =	vst v0;
	v0 =	vld [tilespmem:s10+$0x30]  }
0x187: {  	v1 =	vld [tilespmem:s13+$0x30]  }
0x188: {  	v2 =	vld [tilespmem:s15+$0x30];
	_ =	sdelay $0x3  }
0x189: {  	v0 =	vmul.f32 v1, v0;
	_ =	sdelay $0x1  }
0x18a: {  	v0 =	vadd.f32 v2, v0;
	_ =	sdelay $0x1  }
0x18b: {  	[tilespmem:s10+$0x30] =	vst v0;
	v0 =	vld [tilespmem:s10+$0x40]  }
0x18c: {  	v1 =	vld [tilespmem:s13+$0x40]  }
0x18d: {  	v2 =	vld [tilespmem:s15+$0x40];
	_ =	sdelay $0x3  }
0x18e: {  	v0 =	vmul.f32 v1, v0;
	_ =	sdelay $0x1  }
0x18f: {  	v0 =	vadd.f32 v2, v0;
	_ =	sdelay $0x1  }
0x190: {  	[tilespmem:s10+$0x40] =	vst v0;
	v0 =	vld [tilespmem:s10+$0x50]  }
0x191: {  	v1 =	vld [tilespmem:s13+$0x50]  }
0x192: {  	v2 =	vld [tilespmem:s15+$0x50];
	_ =	sdelay $0x3  }
0x193: {  	v0 =	vmul.f32 v1, v0;
	_ =	sdelay $0x1  }
0x194: {  	v0 =	vadd.f32 v2, v0;
	_ =	sdelay $0x1  }
0x195: {  	[tilespmem:s10+$0x50] =	vst v0;
	v0 =	vld [tilespmem:s10+$0x60]  }
0x196: {  	v1 =	vld [tilespmem:s13+$0x60]  }
0x197: {  	v2 =	vld [tilespmem:s15+$0x60];
	_ =	sdelay $0x3  }
0x198: {  	v0 =	vmul.f32 v1, v0;
	_ =	sdelay $0x1  }
0x199: {  	v0 =	vadd.f32 v2, v0;
	_ =	sdelay $0x1  }
0x19a: {  	[tilespmem:s10+$0x60] =	vst v0;
	v0 =	vld [tilespmem:s10+$0x70]  }
0x19b: {  	v1 =	vld [tilespmem:s13+$0x70]  }
0x19c: {  	v2 =	vld [tilespmem:s15+$0x70];
	_ =	sdelay $0x2  }
.Ltmp1:
0x19d: {  	(pc) =	sbr.rel @p0 .LBB2_5-.Ltmp1, $3  }
0x19e: {  	v0 =	vmul.f32 v1, v0;
	_ =	sdelay $0x1  }
0x19f: {  	v0 =	vadd.f32 v2, v0  }
0x1a0: {  	s10 =	sadd.s32 $0x100, s10  }
0x1a1: {  	s12 =	sadd.s32 $0x1, s12  }
0x1a2: {  	p0 =	sne.s32 s12, $0x7D  }
.Ltmp2:
0x1a3: {  	[tilespmem:s16+$0x70] =	vst v0;
	(pc) =	sbr.rel @p0 .LBB2_2-.Ltmp2, $4  }
0x1a4: {  	[spmem:s4] =	stream.indirect.scatter.add.f32 [tilespmem:s24], [sflag:$0x7], $0x80, s8, s19, $0xb8;
	[tilespmem:$0x1B900] =	vst v63  }
0x1a5: {  	_ =	swait.ge [sflag:s18], $0x1400  }
0x1a6: {  	[sflag:s18] =	ssyncset.done $0x0  }
0x1a7: {  	[sflag:s18] =	ssyncadd.s32 $0xFFFFEC00  }
0x1a8: {  	_ =	swait.ge [sflag:s28], $0x1400  }
0x1a9: {  	[sflag:s28] =	ssyncset.done $0x0  }
0x1aa: {  	[sflag:s28] =	ssyncadd.s32 $0xFFFFEC00  }
0x1ab: {  	_ =	swait.ge [sflag:s29], $0x1400  }
0x1ac: {  	[sflag:s29] =	ssyncset.done $0x0  }
0x1ad: {  	[sflag:s29] =	ssyncadd.s32 $0xFFFFEC00  }
0x1ae: {  	_ =	swait.ge [sflag:s30], $0x1400  }
0x1af: {  	[sflag:s30] =	ssyncset.done $0x0  }
0x1b0: {  	[sflag:s30] =	ssyncadd.s32 $0xFFFFEC00  }
0x1b1: {  	[bflag:$0x0] =	sbarrier.arrive $0xFFFF  }
0x1b2: {  	s13 =	rddreg [dreg:$0x7]  }
0x1b3: {  	s9 =	rddreg [dreg:$0xb]  }
0x1b4: {  	s10 =	rddreg [dreg:$0xd]  }
0x1b5: {  	[hbm:s9], [sflag:s13] =	dma.local [spmem:s10], $0x2800  }
0x1b6: {  	_ =	swait.ge [sflag:s18], $0x2800  }
0x1b7: {  	s12 =	rddreg [dreg:$0xe]  }
0x1b8: {  	s17 =	rddreg [dreg:$0xc];
	s12 =	sadd.s32 $0x1, s12  }
0x1b9: {  	p0 =	sne.s32 s12, s17  }
.Ltmp3:
0x1ba: {  	_ = 	snop;
	(pc) =	sbr.rel @p0 .LBB2_1-.Ltmp3, $3  }
0x1bb: {  	_ =	sdelay $0x1  }
0x1bc: {  	[sflag:s18] =	ssyncset.done $0x0  }
0x1bd: {  	[sflag:s18] =	ssyncadd.s32 $0xFFFFD800  }
0x1be: {  	_ =	sfence.sel $0x180000  }
0x1bf: {  	[bflag:$0x0] =	sbarrier.arrive $0xFFFF  }
0x1c0: {  	_ =	strace $0x90000047  }
0x1c1: {  	s0 =	stileid.u32;
	[bflag:$0x2] =	sbarrier.arrive $0xFFFF  }
0x1c2: {  	p0 =	sne.s32 s0, $0x0;
	s0 =	rddreg [dreg:$0x5]  }
0x1c3: {  	s0 =	sadd.s32 @!p0 $0x100000, s0  }
0x1c4: {  	[sflag:s0] =	ssyncadd.tile.s32 @!p0 $0x1;
	_ =	shalt  }
.Lfunc_end2:
_tile_overlayer_lowered:
.L_overlay_start_2:
0x1c5: {  	(tag) =	ssettag $0x2  }
0x1c6: {  	s0 =	rddreg [dreg:$0x0];
	s2 =	stileid.u32  }
0x1c7: {  	s1 =	rddreg [dreg:$0x1];
	p0 =	sne.s32 s2, $0x0  }
0x1c8: {  	s3 =	rddreg [dreg:$0x2];
	[bflag:$0x3] =	sbarrier.arrive $0xFFFF;
	s2 =	simm.s32 @!p0 $0x1C07  }
0x1c9: {  	[timem:s3], [sflag:s2] =	dma.local @!p0 [hbm:s0], s1  }
0x1ca: {  	s0 =	simm.s32 @!p0 $0x7  }
0x1cb: {  	_ =	swait.ge @!p0 [sflag:s0], s1  }
0x1cc: {  	s1 =	ssub.s32 @!p0 $0x0, s1;
	[sflag:s0] =	ssyncset.done @!p0 $0x0  }
0x1cd: {  	[sflag:s0] =	ssyncadd.s32 @!p0 s1  }
0x1ce: {  	[bflag:$0x3] =	sbarrier.arrive $0xFFFF  }
0x1cf: {  	_ =	shalt  }

</sc_bundles>
